<compile_context>
chip_gen: v7x
topology: tpu7x:2x2x1
jax: 0.10.2.dev20260603
libtpu: 0.0.44.dev20260713+nightly
codegen_flags: <defaults>
</compile_context>

<pallas_src>
import jax
import jax.numpy as jnp
from jax import lax
from jax.experimental import pallas as pl
from jax.experimental.pallas import tpu as pltpu, tpu_sc as plsc

NC = 2
NS = 16
L = 16
NW = NC * NS
GSUB = 80


def _mesh():
    return plsc.VectorSubcoreMesh(core_axis_name="c", subcore_axis_name="s",
                                  num_cores=NC, num_subcores=NS)


def _make_diff_kernel(n_links, n_nodes):
    OUT = n_links // NW
    B1 = 2000
    NB1 = OUT // B1
    assert OUT % B1 == 0 and B1 % L == 0

    def body(vel_hbm, head_hbm, tail_hbm, diff_out, vel_nodes, hblk, tblk, dblk, *_):
        c = lax.axis_index("c")
        s = lax.axis_index("s")
        wid = s * NC + c
        pltpu.sync_copy(vel_hbm.at[pl.ds(0, n_nodes)], vel_nodes)

        def p1_block(b, _):
            off = wid * OUT + b * B1
            pltpu.sync_copy(head_hbm.at[pl.ds(off, B1)], hblk)
            pltpu.sync_copy(tail_hbm.at[pl.ds(off, B1)], tblk)

            def p1_group(j, _):
                sl = pl.ds(j * L, L)
                hv = plsc.load_gather(vel_nodes, [hblk[sl]])
                tv = plsc.load_gather(vel_nodes, [tblk[sl]])
                dblk[sl] = hv - tv
                return 0

            lax.fori_loop(0, B1 // L, p1_group, 0)
            pltpu.sync_copy(dblk, diff_out.at[pl.ds(off, B1)])
            return 0

        lax.fori_loop(0, NB1, p1_block, 0)

    return pl.kernel(
        body,
        out_type=jax.ShapeDtypeStruct((n_links,), jnp.float32),
        mesh=_mesh(),
        scratch_types=(
            pltpu.VMEM((n_nodes,), jnp.float32),
            pltpu.VMEM((B1,), jnp.int32),
            pltpu.VMEM((B1,), jnp.int32),
            pltpu.VMEM((B1,), jnp.float32),
        ),
        compiler_params=pltpu.CompilerParams(needs_layout_passes=False),
        name="tvd_diff_sc",
    )


def _make_ratio_kernel(n_links):
    OUT = n_links // NW
    B2 = 2000
    NB2 = OUT // B2
    NR = B2 // GSUB
    LOADCH = n_links // NS
    assert OUT % B2 == 0 and B2 % GSUB == 0 and B2 % L == 0

    def body(vel_hbm, c0_hbm, c1_hbm, diff_hbm,
             upwind_out, ratio_out,
             velblk, c0blk, c1blk, ublk, u2d, g2d, dnblk, rblk, sem):
        c = lax.axis_index("c")
        s = lax.axis_index("s")
        wid = s * NC + c

        def p2_block(b, _):
            off = wid * OUT + b * B2
            pltpu.sync_copy(vel_hbm.at[pl.ds(off, B2)], velblk)
            pltpu.sync_copy(c0_hbm.at[pl.ds(off, B2)], c0blk)
            pltpu.sync_copy(c1_hbm.at[pl.ds(off, B2)], c1blk)

            def p2_upwind(j, _):
                sl = pl.ds(j * L, L)
                v = velblk[sl]
                u = jnp.where(v <= 0.0, c1blk[sl], c0blk[sl])
                ublk[sl] = u
                u2d[j // (GSUB // L), pl.ds((j % (GSUB // L)) * L, L)] = u
                return 0

            lax.fori_loop(0, B2 // L, p2_upwind, 0)
            pltpu.sync_copy(ublk, upwind_out.at[pl.ds(off, B2)])

            descs = [pltpu.async_copy(diff_hbm.at[u2d.at[r]], g2d.at[r], sem)
                     for r in range(NR)]
            pltpu.sync_copy(diff_hbm.at[pl.ds(off, B2)], dnblk)
            for d in descs:
                d.wait()

            def p2_ratio(j, _):
                sl = pl.ds(j * L, L)
                d = dnblk[sl]
                g = g2d[j // (GSUB // L), pl.ds((j % (GSUB // L)) * L, L)]
                u = ublk[sl]
                ok = (d != 0.0) & (u != -1)
                rblk[sl] = jnp.where(ok, g / d, 1.0)
                return 0

            lax.fori_loop(0, B2 // L, p2_ratio, 0)
            pltpu.sync_copy(rblk, ratio_out.at[pl.ds(off, B2)])
            return 0

        lax.fori_loop(0, NB2, p2_block, 0)

    return pl.kernel(
        body,
        out_type=(
            jax.ShapeDtypeStruct((n_links,), jnp.int32),
            jax.ShapeDtypeStruct((n_links,), jnp.float32),
        ),
        mesh=_mesh(),
        scratch_types=(
            pltpu.VMEM((B2,), jnp.float32),
            pltpu.VMEM((B2,), jnp.int32),
            pltpu.VMEM((B2,), jnp.int32),
            pltpu.VMEM((B2,), jnp.int32),
            pltpu.VMEM((NR, GSUB), jnp.int32),
            pltpu.VMEM((NR, GSUB), jnp.float32),
            pltpu.VMEM((B2,), jnp.float32),
            pltpu.VMEM((B2,), jnp.float32),
            pltpu.SemaphoreType.DMA,
        ),
        compiler_params=pltpu.CompilerParams(needs_layout_passes=False),
        name="tvd_ratio_sc",
    )


def kernel(velocity, field, parallel_links_at_link, node_at_link_head, node_at_link_tail):
    n_links = velocity.shape[0]
    n_nodes = field.shape[0]
    diff = _make_diff_kernel(n_links, n_nodes)(velocity, node_at_link_head, node_at_link_tail)
    c0 = parallel_links_at_link[:, 0]
    c1 = parallel_links_at_link[:, 1]
    upwind, ratio = _make_ratio_kernel(n_links)(velocity, c0, c1, diff)
    return upwind, ratio

# --- scband reference (transcript-rebuilt; emitter-appended) ---
"""Pipeline reference for scband-tvdadvection-7352984011571 (READ-ONLY COPY).

The authoritative reference and input builder live on the scoring server;
editing this copy changes nothing except your own understanding.
"""

import jax, jax.numpy as jnp
import numpy as np

N_NODES = 100000
N_LINKS = 1600000

def setup_inputs(seed: int = 0) -> dict:
    key = jax.random.key(seed)
    k1, k2, k3, k4, k5 = jax.random.split(key, 5)
    velocity = jax.random.normal(k1, (N_LINKS,), dtype=jnp.float32)
    field = jax.random.normal(k2, (N_NODES,), dtype=jnp.float32)
    parallel_links_at_link = jax.random.randint(k3, (N_LINKS, 2), 0, N_LINKS, dtype=jnp.int32)
    node_at_link_head = jax.random.randint(k4, (N_LINKS,), 0, N_NODES, dtype=jnp.int32)
    node_at_link_tail = jax.random.randint(k5, (N_LINKS,), 0, N_NODES, dtype=jnp.int32)
    return {
        'velocity': velocity,
        'field': field,
        'parallel_links_at_link': parallel_links_at_link,
        'node_at_link_head': node_at_link_head,
        'node_at_link_tail': node_at_link_tail,
    }

def reference(velocity, field, parallel_links_at_link, node_at_link_head, node_at_link_tail):
    # Faithful translation of TVDAdvection.__post_init__
    n_parallel = parallel_links_at_link.shape[0]
    inverse_velocity = jnp.asarray(velocity <= 0).astype(jnp.int32)
    # gather: pick upwind link for each link based on velocity sign
    upwind_links = parallel_links_at_link[jnp.arange(n_parallel), inverse_velocity]
    # gather: velocity difference across each link (head node minus tail node)
    local_diff = velocity[node_at_link_head] - velocity[node_at_link_tail]
    gradient_ratio = jnp.where(
        (local_diff != 0) & (upwind_links != -1),
        jnp.divide(local_diff[upwind_links], local_diff),
        1.0,
    )
    return upwind_links, gradient_ratio

if __name__ == "__main__":
    import jax
    _d = setup_inputs()
    print(jax.jit(kernel)(*tuple(_d.values())))

</pallas_src>

<mosaic_0001>
#map = affine_map<(d0, d1) -> (0)>
module attributes {stable_mosaic.version = 14 : i64} {
  func.func @tvd_diff_sc(%arg0: i32, %arg1: i32, %arg2: memref<1600000xf32, #tpu.memory_space<hbm>>, %arg3: memref<1600000xi32, #tpu.memory_space<hbm>>, %arg4: memref<1600000xi32, #tpu.memory_space<hbm>>, %arg5: memref<1600000xf32, #tpu.memory_space<hbm>>, %arg6: memref<100000xf32, #tpu.memory_space<vmem>>, %arg7: memref<2000xi32, #tpu.memory_space<vmem>>, %arg8: memref<2000xi32, #tpu.memory_space<vmem>>, %arg9: memref<2000xf32, #tpu.memory_space<vmem>>) attributes {dimension_semantics = [#tpu.dimension_semantics<core_parallel>, #tpu.dimension_semantics<subcore_parallel>], iteration_bounds = array<i64: 2, 16>, scalar_prefetch = 0 : i64, scratch_operands = 4 : i64, tpu.core_type = #tpu.core_type<sc_vector_subcore>, window_params = [{transform_indices = #map}, {transform_indices = #map}, {transform_indices = #map}, {transform_indices = #map}]} {
    %mul3A = arith.constant 2 : i32
    %mul3A_0 = arith.muli %arg1, %mul3A : i32
    %add3A = arith.addi %mul3A_0, %arg0 : i32
    "tpu.region"() ({
      %run_scoped3A = tpu.sem_alloc : memref<!tpu.dma_semaphore, #tpu.memory_space<semaphore_mem>>
      %dma_start3A = arith.constant 0 : i32
      %dma_start3A_7 = tpu.memref_slice %arg2[%dma_start3A] : memref<1600000xf32, #tpu.memory_space<hbm>> -> memref<100000xf32, #tpu.memory_space<hbm>>
      %dma_start3A_8 = arith.constant 0 : i32
      %dma_start3A_9 = tpu.memref_slice %arg2[%dma_start3A_8] : memref<1600000xf32, #tpu.memory_space<hbm>> -> memref<100000xf32, #tpu.memory_space<hbm>>
      tpu.enqueue_dma source(%dma_start3A_9 : memref<100000xf32, #tpu.memory_space<hbm>>) target(%arg6 : memref<100000xf32, #tpu.memory_space<vmem>>) target_semaphore(%run_scoped3A : memref<!tpu.dma_semaphore, #tpu.memory_space<semaphore_mem>>)
      %dma_wait3A = arith.constant 0 : i32
      %dma_wait3A_10 = tpu.memref_slice %arg2[%dma_wait3A] : memref<1600000xf32, #tpu.memory_space<hbm>> -> memref<100000xf32, #tpu.memory_space<hbm>>
      %dma_wait3A_11 = arith.constant 0 : i32
      %dma_wait3A_12 = tpu.memref_slice %arg2[%dma_wait3A_11] : memref<1600000xf32, #tpu.memory_space<hbm>> -> memref<100000xf32, #tpu.memory_space<hbm>>
      tpu.wait_dma2 semaphore(%run_scoped3A : memref<!tpu.dma_semaphore, #tpu.memory_space<semaphore_mem>>) src(%dma_wait3A_12 : memref<100000xf32, #tpu.memory_space<hbm>>) dst(%arg6 : memref<100000xf32, #tpu.memory_space<vmem>>)
      tpu.yield
    }) : () -> ()
    %scan3A = arith.constant 0 : i32
    %scan3A_1 = arith.constant 0 : i32
    %scan3A_2 = arith.constant 25 : i32
    %scan3A_3 = arith.addi %scan3A_1, %scan3A_2 : i32
    %scan3A_4 = arith.constant 1 : i32
    %scan3A_5 = scf.for %scan3A_7 = %scan3A_1 to %scan3A_3 step %scan3A_4 iter_args(%scan3A_8 = %scan3A) -> (i32)  : i32 {
      %mul3A_9 = arith.constant 50000 : i32
      %mul3A_10 = arith.muli %add3A, %mul3A_9 : i32
      %mul3A_11 = arith.constant 2000 : i32
      %mul3A_12 = arith.muli %scan3A_7, %mul3A_11 : i32
      %add3A_13 = arith.addi %mul3A_10, %mul3A_12 : i32
      "tpu.region"() ({
        %run_scoped3A = tpu.sem_alloc : memref<!tpu.dma_semaphore, #tpu.memory_space<semaphore_mem>>
        %dma_start3A = tpu.memref_slice %arg3[%add3A_13] : memref<1600000xi32, #tpu.memory_space<hbm>> -> memref<2000xi32, #tpu.memory_space<hbm>>
        %dma_start3A_22 = tpu.memref_slice %arg3[%add3A_13] : memref<1600000xi32, #tpu.memory_space<hbm>> -> memref<2000xi32, #tpu.memory_space<hbm>>
        tpu.enqueue_dma source(%dma_start3A_22 : memref<2000xi32, #tpu.memory_space<hbm>>) target(%arg7 : memref<2000xi32, #tpu.memory_space<vmem>>) target_semaphore(%run_scoped3A : memref<!tpu.dma_semaphore, #tpu.memory_space<semaphore_mem>>)
        %dma_wait3A = tpu.memref_slice %arg3[%add3A_13] : memref<1600000xi32, #tpu.memory_space<hbm>> -> memref<2000xi32, #tpu.memory_space<hbm>>
        %dma_wait3A_23 = tpu.memref_slice %arg3[%add3A_13] : memref<1600000xi32, #tpu.memory_space<hbm>> -> memref<2000xi32, #tpu.memory_space<hbm>>
        tpu.wait_dma2 semaphore(%run_scoped3A : memref<!tpu.dma_semaphore, #tpu.memory_space<semaphore_mem>>) src(%dma_wait3A_23 : memref<2000xi32, #tpu.memory_space<hbm>>) dst(%arg7 : memref<2000xi32, #tpu.memory_space<vmem>>)
        tpu.yield
      }) : () -> ()
      "tpu.region"() ({
        %run_scoped3A = tpu.sem_alloc : memref<!tpu.dma_semaphore, #tpu.memory_space<semaphore_mem>>
        %dma_start3A = tpu.memref_slice %arg4[%add3A_13] : memref<1600000xi32, #tpu.memory_space<hbm>> -> memref<2000xi32, #tpu.memory_space<hbm>>
        %dma_start3A_22 = tpu.memref_slice %arg4[%add3A_13] : memref<1600000xi32, #tpu.memory_space<hbm>> -> memref<2000xi32, #tpu.memory_space<hbm>>
        tpu.enqueue_dma source(%dma_start3A_22 : memref<2000xi32, #tpu.memory_space<hbm>>) target(%arg8 : memref<2000xi32, #tpu.memory_space<vmem>>) target_semaphore(%run_scoped3A : memref<!tpu.dma_semaphore, #tpu.memory_space<semaphore_mem>>)
        %dma_wait3A = tpu.memref_slice %arg4[%add3A_13] : memref<1600000xi32, #tpu.memory_space<hbm>> -> memref<2000xi32, #tpu.memory_space<hbm>>
        %dma_wait3A_23 = tpu.memref_slice %arg4[%add3A_13] : memref<1600000xi32, #tpu.memory_space<hbm>> -> memref<2000xi32, #tpu.memory_space<hbm>>
        tpu.wait_dma2 semaphore(%run_scoped3A : memref<!tpu.dma_semaphore, #tpu.memory_space<semaphore_mem>>) src(%dma_wait3A_23 : memref<2000xi32, #tpu.memory_space<hbm>>) dst(%arg8 : memref<2000xi32, #tpu.memory_space<vmem>>)
        tpu.yield
      }) : () -> ()
      %scan3A_14 = arith.constant 0 : i32
      %scan3A_15 = arith.constant 0 : i32
      %scan3A_16 = arith.constant 125 : i32
      %scan3A_17 = arith.addi %scan3A_15, %scan3A_16 : i32
      %scan3A_18 = arith.constant 1 : i32
      %scan3A_19 = scf.for %scan3A_22 = %scan3A_15 to %scan3A_17 step %scan3A_18 iter_args(%scan3A_23 = %scan3A_14) -> (i32)  : i32 {
        %mul3A_24 = arith.constant 16 : i32
        %mul3A_25 = arith.muli %scan3A_22, %mul3A_24 : i32
        %get3A = arith.index_cast %mul3A_25 : i32 to index
        %get3A_26 = tpu.vector_load %arg7[%get3A] {strides = array<i32>} : memref<2000xi32, #tpu.memory_space<vmem>>, vector<16xi32>,
        %gather3A = tpu.vector_load_idx %arg6[%get3A_26] : memref<100000xf32, #tpu.memory_space<vmem>>[vector<16xi32>], vector<16xf32>,
        %get3A_27 = arith.index_cast %mul3A_25 : i32 to index
        %get3A_28 = tpu.vector_load %arg8[%get3A_27] {strides = array<i32>} : memref<2000xi32, #tpu.memory_space<vmem>>, vector<16xi32>,
        %gather3A_29 = tpu.vector_load_idx %arg6[%get3A_28] : memref<100000xf32, #tpu.memory_space<vmem>>[vector<16xi32>], vector<16xf32>,
        %sub3A = arith.subf %gather3A, %gather3A_29 : vector<16xf32>
        %swap3A = arith.index_cast %mul3A_25 : i32 to index
        %swap3A_30 = tpu.vector_load %arg9[%swap3A] {strides = array<i32>} : memref<2000xf32, #tpu.memory_space<vmem>>, vector<16xf32>,
        tpu.vector_store %arg9[%swap3A], %sub3A {strides = array<i32>} : memref<2000xf32, #tpu.memory_space<vmem>>, vector<16xf32>,
        %scan3A_31 = arith.constant 0 : i32
        scf.yield %scan3A_31 : i32
      }
      %scan3A_20 = arith.constant 125 : i32
      "tpu.region"() ({
        %run_scoped3A = tpu.sem_alloc : memref<!tpu.dma_semaphore, #tpu.memory_space<semaphore_mem>>
        %dma_start3A = tpu.memref_slice %arg5[%add3A_13] : memref<1600000xf32, #tpu.memory_space<hbm>> -> memref<2000xf32, #tpu.memory_space<hbm>>
        %dma_start3A_22 = tpu.memref_slice %arg5[%add3A_13] : memref<1600000xf32, #tpu.memory_space<hbm>> -> memref<2000xf32, #tpu.memory_space<hbm>>
        tpu.enqueue_dma source(%arg9 : memref<2000xf32, #tpu.memory_space<vmem>>) target(%dma_start3A_22 : memref<2000xf32, #tpu.memory_space<hbm>>) target_semaphore(%run_scoped3A : memref<!tpu.dma_semaphore, #tpu.memory_space<semaphore_mem>>)
        %dma_wait3A = tpu.memref_slice %arg5[%add3A_13] : memref<1600000xf32, #tpu.memory_space<hbm>> -> memref<2000xf32, #tpu.memory_space<hbm>>
        %dma_wait3A_23 = tpu.memref_slice %arg5[%add3A_13] : memref<1600000xf32, #tpu.memory_space<hbm>> -> memref<2000xf32, #tpu.memory_space<hbm>>
        tpu.wait_dma2 semaphore(%run_scoped3A : memref<!tpu.dma_semaphore, #tpu.memory_space<semaphore_mem>>) src(%arg9 : memref<2000xf32, #tpu.memory_space<vmem>>) dst(%dma_wait3A_23 : memref<2000xf32, #tpu.memory_space<hbm>>)
        tpu.yield
      }) : () -> ()
      %scan3A_21 = arith.constant 0 : i32
      scf.yield %scan3A_21 : i32
    }
    %scan3A_6 = arith.constant 25 : i32
    return
  }
}

#map = affine_map<(d0, d1) -> (0)>
module attributes {stable_mosaic.version = 14 : i64} {
  func.func @tvd_ratio_sc(%arg0: i32, %arg1: i32, %arg2: memref<1600000xf32, #tpu.memory_space<hbm>>, %arg3: memref<1600000xi32, #tpu.memory_space<hbm>>, %arg4: memref<1600000xi32, #tpu.memory_space<hbm>>, %arg5: memref<1600000xf32, #tpu.memory_space<hbm>>, %arg6: memref<1600000xi32, #tpu.memory_space<hbm>>, %arg7: memref<1600000xf32, #tpu.memory_space<hbm>>, %arg8: memref<2000xf32, #tpu.memory_space<vmem>>, %arg9: memref<2000xi32, #tpu.memory_space<vmem>>, %arg10: memref<2000xi32, #tpu.memory_space<vmem>>, %arg11: memref<2000xi32, #tpu.memory_space<vmem>>, %arg12: memref<25x80xi32, #tpu.memory_space<vmem>>, %arg13: memref<25x80xf32, #tpu.memory_space<vmem>>, %arg14: memref<2000xf32, #tpu.memory_space<vmem>>, %arg15: memref<2000xf32, #tpu.memory_space<vmem>>, %arg16: memref<!tpu.dma_semaphore, #tpu.memory_space<semaphore_mem>>) attributes {dimension_semantics = [#tpu.dimension_semantics<core_parallel>, #tpu.dimension_semantics<subcore_parallel>], iteration_bounds = array<i64: 2, 16>, scalar_prefetch = 0 : i64, scratch_operands = 9 : i64, tpu.core_type = #tpu.core_type<sc_vector_subcore>, window_params = [{transform_indices = #map}, {transform_indices = #map}, {transform_indices = #map}, {transform_indices = #map}, {transform_indices = #map}, {transform_indices = #map}]} {
    %mul3A = arith.constant 2 : i32
    %mul3A_0 = arith.muli %arg1, %mul3A : i32
    %add3A = arith.addi %mul3A_0, %arg0 : i32
    %scan3A = arith.constant 0 : i32
    %scan3A_1 = arith.constant 0 : i32
    %scan3A_2 = arith.constant 25 : i32
    %scan3A_3 = arith.addi %scan3A_1, %scan3A_2 : i32
    %scan3A_4 = arith.constant 1 : i32
    %scan3A_5 = scf.for %scan3A_7 = %scan3A_1 to %scan3A_3 step %scan3A_4 iter_args(%scan3A_8 = %scan3A) -> (i32)  : i32 {
      %mul3A_9 = arith.constant 50000 : i32
      %mul3A_10 = arith.muli %add3A, %mul3A_9 : i32
      %mul3A_11 = arith.constant 2000 : i32
      %mul3A_12 = arith.muli %scan3A_7, %mul3A_11 : i32
      %add3A_13 = arith.addi %mul3A_10, %mul3A_12 : i32
      "tpu.region"() ({
        %run_scoped3A = tpu.sem_alloc : memref<!tpu.dma_semaphore, #tpu.memory_space<semaphore_mem>>
        %dma_start3A_527 = tpu.memref_slice %arg2[%add3A_13] : memref<1600000xf32, #tpu.memory_space<hbm>> -> memref<2000xf32, #tpu.memory_space<hbm>>
        %dma_start3A_528 = tpu.memref_slice %arg2[%add3A_13] : memref<1600000xf32, #tpu.memory_space<hbm>> -> memref<2000xf32, #tpu.memory_space<hbm>>
        tpu.enqueue_dma source(%dma_start3A_528 : memref<2000xf32, #tpu.memory_space<hbm>>) target(%arg8 : memref<2000xf32, #tpu.memory_space<vmem>>) target_semaphore(%run_scoped3A : memref<!tpu.dma_semaphore, #tpu.memory_space<semaphore_mem>>)
        %dma_wait3A_529 = tpu.memref_slice %arg2[%add3A_13] : memref<1600000xf32, #tpu.memory_space<hbm>> -> memref<2000xf32, #tpu.memory_space<hbm>>
        %dma_wait3A_530 = tpu.memref_slice %arg2[%add3A_13] : memref<1600000xf32, #tpu.memory_space<hbm>> -> memref<2000xf32, #tpu.memory_space<hbm>>
        tpu.wait_dma2 semaphore(%run_scoped3A : memref<!tpu.dma_semaphore, #tpu.memory_space<semaphore_mem>>) src(%dma_wait3A_530 : memref<2000xf32, #tpu.memory_space<hbm>>) dst(%arg8 : memref<2000xf32, #tpu.memory_space<vmem>>)
        tpu.yield
      }) : () -> ()
      "tpu.region"() ({
        %run_scoped3A = tpu.sem_alloc : memref<!tpu.dma_semaphore, #tpu.memory_space<semaphore_mem>>
        %dma_start3A_527 = tpu.memref_slice %arg3[%add3A_13] : memref<1600000xi32, #tpu.memory_space<hbm>> -> memref<2000xi32, #tpu.memory_space<hbm>>
        %dma_start3A_528 = tpu.memref_slice %arg3[%add3A_13] : memref<1600000xi32, #tpu.memory_space<hbm>> -> memref<2000xi32, #tpu.memory_space<hbm>>
        tpu.enqueue_dma source(%dma_start3A_528 : memref<2000xi32, #tpu.memory_space<hbm>>) target(%arg9 : memref<2000xi32, #tpu.memory_space<vmem>>) target_semaphore(%run_scoped3A : memref<!tpu.dma_semaphore, #tpu.memory_space<semaphore_mem>>)
        %dma_wait3A_529 = tpu.memref_slice %arg3[%add3A_13] : memref<1600000xi32, #tpu.memory_space<hbm>> -> memref<2000xi32, #tpu.memory_space<hbm>>
        %dma_wait3A_530 = tpu.memref_slice %arg3[%add3A_13] : memref<1600000xi32, #tpu.memory_space<hbm>> -> memref<2000xi32, #tpu.memory_space<hbm>>
        tpu.wait_dma2 semaphore(%run_scoped3A : memref<!tpu.dma_semaphore, #tpu.memory_space<semaphore_mem>>) src(%dma_wait3A_530 : memref<2000xi32, #tpu.memory_space<hbm>>) dst(%arg9 : memref<2000xi32, #tpu.memory_space<vmem>>)
        tpu.yield
      }) : () -> ()
      "tpu.region"() ({
        %run_scoped3A = tpu.sem_alloc : memref<!tpu.dma_semaphore, #tpu.memory_space<semaphore_mem>>
        %dma_start3A_527 = tpu.memref_slice %arg4[%add3A_13] : memref<1600000xi32, #tpu.memory_space<hbm>> -> memref<2000xi32, #tpu.memory_space<hbm>>
        %dma_start3A_528 = tpu.memref_slice %arg4[%add3A_13] : memref<1600000xi32, #tpu.memory_space<hbm>> -> memref<2000xi32, #tpu.memory_space<hbm>>
        tpu.enqueue_dma source(%dma_start3A_528 : memref<2000xi32, #tpu.memory_space<hbm>>) target(%arg10 : memref<2000xi32, #tpu.memory_space<vmem>>) target_semaphore(%run_scoped3A : memref<!tpu.dma_semaphore, #tpu.memory_space<semaphore_mem>>)
        %dma_wait3A_529 = tpu.memref_slice %arg4[%add3A_13] : memref<1600000xi32, #tpu.memory_space<hbm>> -> memref<2000xi32, #tpu.memory_space<hbm>>
        %dma_wait3A_530 = tpu.memref_slice %arg4[%add3A_13] : memref<1600000xi32, #tpu.memory_space<hbm>> -> memref<2000xi32, #tpu.memory_space<hbm>>
        tpu.wait_dma2 semaphore(%run_scoped3A : memref<!tpu.dma_semaphore, #tpu.memory_space<semaphore_mem>>) src(%dma_wait3A_530 : memref<2000xi32, #tpu.memory_space<hbm>>) dst(%arg10 : memref<2000xi32, #tpu.memory_space<vmem>>)
        tpu.yield
      }) : () -> ()
      %scan3A_14 = arith.constant 0 : i32
      %scan3A_15 = arith.constant 0 : i32
      %scan3A_16 = arith.constant 125 : i32
      %scan3A_17 = arith.addi %scan3A_15, %scan3A_16 : i32
      %scan3A_18 = arith.constant 1 : i32
      %scan3A_19 = scf.for %scan3A_527 = %scan3A_15 to %scan3A_17 step %scan3A_18 iter_args(%scan3A_528 = %scan3A_14) -> (i32)  : i32 {
        %mul3A_529 = arith.constant 16 : i32
        %mul3A_530 = arith.muli %scan3A_527, %mul3A_529 : i32
        %get3A = arith.index_cast %mul3A_530 : i32 to index
        %get3A_531 = tpu.vector_load %arg8[%get3A] {strides = array<i32>} : memref<2000xf32, #tpu.memory_space<vmem>>, vector<16xf32>,
        %le3A = arith.constant 0.000000e+00 : f32
        %le3A_532 = vector.broadcast %le3A : f32 to vector<16xf32>
        %le3A_533 = arith.cmpf ole, %get3A_531, %le3A_532 : vector<16xf32>
        %get3A_534 = arith.index_cast %mul3A_530 : i32 to index
        %get3A_535 = tpu.vector_load %arg10[%get3A_534] {strides = array<i32>} : memref<2000xi32, #tpu.memory_space<vmem>>, vector<16xi32>,
        %get3A_536 = arith.index_cast %mul3A_530 : i32 to index
        %get3A_537 = tpu.vector_load %arg9[%get3A_536] {strides = array<i32>} : memref<2000xi32, #tpu.memory_space<vmem>>, vector<16xi32>,
        %select_n3A = arith.select %le3A_533, %get3A_535, %get3A_537 : vector<16xi1>, vector<16xi32>
        %swap3A = arith.index_cast %mul3A_530 : i32 to index
        %swap3A_538 = tpu.vector_load %arg11[%swap3A] {strides = array<i32>} : memref<2000xi32, #tpu.memory_space<vmem>>, vector<16xi32>,
        tpu.vector_store %arg11[%swap3A], %select_n3A {strides = array<i32>} : memref<2000xi32, #tpu.memory_space<vmem>>, vector<16xi32>,
        %jit3A = arith.constant 5 : i32
        %div3A = arith.divsi %scan3A_527, %jit3A : i32
        %sign3A = arith.constant 0 : i32
        %sign3A_539 = arith.cmpi sgt, %scan3A_527, %sign3A : i32
        %sign3A_540 = arith.extui %sign3A_539 : i1 to i32
        %sign3A_541 = arith.constant 0 : i32
        %sign3A_542 = arith.cmpi slt, %scan3A_527, %sign3A_541 : i32
        %sign3A_543 = arith.extui %sign3A_542 : i1 to i32
        %sign3A_544 = arith.subi %sign3A_540, %sign3A_543 : i32
        %sign3A_545 = arith.constant 0 : i32
        %sign3A_546 = arith.cmpi sgt, %jit3A, %sign3A_545 : i32
        %sign3A_547 = arith.extui %sign3A_546 : i1 to i32
        %sign3A_548 = arith.constant 0 : i32
        %sign3A_549 = arith.cmpi slt, %jit3A, %sign3A_548 : i32
        %sign3A_550 = arith.extui %sign3A_549 : i1 to i32
        %sign3A_551 = arith.subi %sign3A_547, %sign3A_550 : i32
        %ne3A = arith.cmpi ne, %sign3A_544, %sign3A_551 : i32
        %rem3A = arith.remsi %scan3A_527, %jit3A : i32
        %ne3A_552 = arith.constant 0 : i32
        %ne3A_553 = arith.cmpi ne, %rem3A, %ne3A_552 : i32
        %and3A = arith.andi %ne3A, %ne3A_553 : i1
        %sub3A = arith.constant 1 : i32
        %sub3A_554 = arith.subi %div3A, %sub3A : i32
        %select_n3A_555 = arith.select %and3A, %sub3A_554, %div3A : i32
        %jit3A_556 = arith.constant 5 : i32
        %eq3A = arith.constant 0 : i32
        %eq3A_557 = arith.cmpi eq, %jit3A_556, %eq3A : i32
        %jit3A_558 = arith.constant 1 : i32
        %select_n3A_559 = arith.select %eq3A_557, %jit3A_558, %jit3A_556 : i32
        %rem3A_560 = arith.remsi %scan3A_527, %select_n3A_559 : i32
        %ne3A_561 = arith.constant 0 : i32
        %ne3A_562 = arith.cmpi ne, %rem3A_560, %ne3A_561 : i32
        %lt3A = arith.constant 0 : i32
        %lt3A_563 = arith.cmpi slt, %rem3A_560, %lt3A : i32
        %lt3A_564 = arith.constant 0 : i32
        %lt3A_565 = arith.cmpi slt, %select_n3A_559, %lt3A_564 : i32
        %ne3A_566 = arith.xori %lt3A_563, %lt3A_565 : i1
        %and3A_567 = arith.andi %ne3A_566, %ne3A_562 : i1
        %add3A_568 = arith.addi %rem3A_560, %select_n3A_559 : i32
        %select_n3A_569 = arith.select %and3A_567, %add3A_568, %rem3A_560 : i32
        %mul3A_570 = arith.constant 16 : i32
        %mul3A_571 = arith.muli %select_n3A_569, %mul3A_570 : i32
        %swap3A_572 = arith.index_cast %select_n3A_555 : i32 to index
        %swap3A_573 = arith.index_cast %mul3A_571 : i32 to index
        %swap3A_574 = tpu.vector_load %arg12[%swap3A_572, %swap3A_573] {strides = array<i32>} : memref<25x80xi32, #tpu.memory_space<vmem>>, vector<16xi32>,
        tpu.vector_store %arg12[%swap3A_572, %swap3A_573], %select_n3A {strides = array<i32>} : memref<25x80xi32, #tpu.memory_space<vmem>>, vector<16xi32>,
        %scan3A_575 = arith.constant 0 : i32
        scf.yield %scan3A_575 : i32
      }
      %scan3A_20 = arith.constant 125 : i32
      "tpu.region"() ({
        %run_scoped3A = tpu.sem_alloc : memref<!tpu.dma_semaphore, #tpu.memory_space<semaphore_mem>>
        %dma_start3A_527 = tpu.memref_slice %arg6[%add3A_13] : memref<1600000xi32, #tpu.memory_space<hbm>> -> memref<2000xi32, #tpu.memory_space<hbm>>
        %dma_start3A_528 = tpu.memref_slice %arg6[%add3A_13] : memref<1600000xi32, #tpu.memory_space<hbm>> -> memref<2000xi32, #tpu.memory_space<hbm>>
        tpu.enqueue_dma source(%arg11 : memref<2000xi32, #tpu.memory_space<vmem>>) target(%dma_start3A_528 : memref<2000xi32, #tpu.memory_space<hbm>>) target_semaphore(%run_scoped3A : memref<!tpu.dma_semaphore, #tpu.memory_space<semaphore_mem>>)
        %dma_wait3A_529 = tpu.memref_slice %arg6[%add3A_13] : memref<1600000xi32, #tpu.memory_space<hbm>> -> memref<2000xi32, #tpu.memory_space<hbm>>
        %dma_wait3A_530 = tpu.memref_slice %arg6[%add3A_13] : memref<1600000xi32, #tpu.memory_space<hbm>> -> memref<2000xi32, #tpu.memory_space<hbm>>
        tpu.wait_dma2 semaphore(%run_scoped3A : memref<!tpu.dma_semaphore, #tpu.memory_space<semaphore_mem>>) src(%arg11 : memref<2000xi32, #tpu.memory_space<vmem>>) dst(%dma_wait3A_530 : memref<2000xi32, #tpu.memory_space<hbm>>)
        tpu.yield
      }) : () -> ()
      %dma_start3A = arith.constant 0 : i32
      %dma_start3A_21 = arith.constant 0 : i32
      %dma_start3A_22 = arith.constant 0 : i32
      %dma_start3A_23 = tpu.memref_slice %arg13[%dma_start3A_21, %dma_start3A_22] : memref<25x80xf32, #tpu.memory_space<vmem>> -> memref<1x80xf32, #tpu.memory_space<vmem>>
      %dma_start3A_24 = tpu.memref_squeeze %dma_start3A_23 : memref<1x80xf32, #tpu.memory_space<vmem>> -> memref<80xf32, #tpu.memory_space<vmem>>
      %dma_start3A_25 = arith.constant 0 : i32
      %dma_start3A_26 = tpu.memref_slice %arg12[%dma_start3A, %dma_start3A_25] : memref<25x80xi32, #tpu.memory_space<vmem>> -> memref<1x80xi32, #tpu.memory_space<vmem>>
      %dma_start3A_27 = tpu.memref_squeeze %dma_start3A_26 : memref<1x80xi32, #tpu.memory_space<vmem>> -> memref<80xi32, #tpu.memory_space<vmem>>
      %dma_start3A_28 = arith.constant 0 : i32
      %dma_start3A_29 = tpu.memref_slice %arg5[%dma_start3A_28] : memref<1600000xf32, #tpu.memory_space<hbm>> -> memref<1600000xf32, #tpu.memory_space<hbm>>
      tpu.enqueue_indirect_dma source(%dma_start3A_29 : memref<1600000xf32, #tpu.memory_space<hbm>>) target(%dma_start3A_24 : memref<80xf32, #tpu.memory_space<vmem>>) offsets(%dma_start3A_27 : memref<80xi32, #tpu.memory_space<vmem>>) semaphore(%arg16 : memref<!tpu.dma_semaphore, #tpu.memory_space<semaphore_mem>>)
      %dma_start3A_30 = arith.constant 1 : i32
      %dma_start3A_31 = arith.constant 1 : i32
      %dma_start3A_32 = arith.constant 0 : i32
      %dma_start3A_33 = tpu.memref_slice %arg13[%dma_start3A_31, %dma_start3A_32] : memref<25x80xf32, #tpu.memory_space<vmem>> -> memref<1x80xf32, #tpu.memory_space<vmem>>
      %dma_start3A_34 = tpu.memref_squeeze %dma_start3A_33 : memref<1x80xf32, #tpu.memory_space<vmem>> -> memref<80xf32, #tpu.memory_space<vmem>>
      %dma_start3A_35 = arith.constant 0 : i32
      %dma_start3A_36 = tpu.memref_slice %arg12[%dma_start3A_30, %dma_start3A_35] : memref<25x80xi32, #tpu.memory_space<vmem>> -> memref<1x80xi32, #tpu.memory_space<vmem>>
      %dma_start3A_37 = tpu.memref_squeeze %dma_start3A_36 : memref<1x80xi32, #tpu.memory_space<vmem>> -> memref<80xi32, #tpu.memory_space<vmem>>
      %dma_start3A_38 = arith.constant 0 : i32
      %dma_start3A_39 = tpu.memref_slice %arg5[%dma_start3A_38] : memref<1600000xf32, #tpu.memory_space<hbm>> -> memref<1600000xf32, #tpu.memory_space<hbm>>
      tpu.enqueue_indirect_dma source(%dma_start3A_39 : memref<1600000xf32, #tpu.memory_space<hbm>>) target(%dma_start3A_34 : memref<80xf32, #tpu.memory_space<vmem>>) offsets(%dma_start3A_37 : memref<80xi32, #tpu.memory_space<vmem>>) semaphore(%arg16 : memref<!tpu.dma_semaphore, #tpu.memory_space<semaphore_mem>>)
      %dma_start3A_40 = arith.constant 2 : i32
      %dma_start3A_41 = arith.constant 2 : i32
      %dma_start3A_42 = arith.constant 0 : i32
      %dma_start3A_43 = tpu.memref_slice %arg13[%dma_start3A_41, %dma_start3A_42] : memref<25x80xf32, #tpu.memory_space<vmem>> -> memref<1x80xf32, #tpu.memory_space<vmem>>
      %dma_start3A_44 = tpu.memref_squeeze %dma_start3A_43 : memref<1x80xf32, #tpu.memory_space<vmem>> -> memref<80xf32, #tpu.memory_space<vmem>>
      %dma_start3A_45 = arith.constant 0 : i32
      %dma_start3A_46 = tpu.memref_slice %arg12[%dma_start3A_40, %dma_start3A_45] : memref<25x80xi32, #tpu.memory_space<vmem>> -> memref<1x80xi32, #tpu.memory_space<vmem>>
      %dma_start3A_47 = tpu.memref_squeeze %dma_start3A_46 : memref<1x80xi32, #tpu.memory_space<vmem>> -> memref<80xi32, #tpu.memory_space<vmem>>
      %dma_start3A_48 = arith.constant 0 : i32
      %dma_start3A_49 = tpu.memref_slice %arg5[%dma_start3A_48] : memref<1600000xf32, #tpu.memory_space<hbm>> -> memref<1600000xf32, #tpu.memory_space<hbm>>
      tpu.enqueue_indirect_dma source(%dma_start3A_49 : memref<1600000xf32, #tpu.memory_space<hbm>>) target(%dma_start3A_44 : memref<80xf32, #tpu.memory_space<vmem>>) offsets(%dma_start3A_47 : memref<80xi32, #tpu.memory_space<vmem>>) semaphore(%arg16 : memref<!tpu.dma_semaphore, #tpu.memory_space<semaphore_mem>>)
      %dma_start3A_50 = arith.constant 3 : i32
      %dma_start3A_51 = arith.constant 3 : i32
      %dma_start3A_52 = arith.constant 0 : i32
      %dma_start3A_53 = tpu.memref_slice %arg13[%dma_start3A_51, %dma_start3A_52] : memref<25x80xf32, #tpu.memory_space<vmem>> -> memref<1x80xf32, #tpu.memory_space<vmem>>
      %dma_start3A_54 = tpu.memref_squeeze %dma_start3A_53 : memref<1x80xf32, #tpu.memory_space<vmem>> -> memref<80xf32, #tpu.memory_space<vmem>>
      %dma_start3A_55 = arith.constant 0 : i32
      %dma_start3A_56 = tpu.memref_slice %arg12[%dma_start3A_50, %dma_start3A_55] : memref<25x80xi32, #tpu.memory_space<vmem>> -> memref<1x80xi32, #tpu.memory_space<vmem>>
      %dma_start3A_57 = tpu.memref_squeeze %dma_start3A_56 : memref<1x80xi32, #tpu.memory_space<vmem>> -> memref<80xi32, #tpu.memory_space<vmem>>
      %dma_start3A_58 = arith.constant 0 : i32
      %dma_start3A_59 = tpu.memref_slice %arg5[%dma_start3A_58] : memref<1600000xf32, #tpu.memory_space<hbm>> -> memref<1600000xf32, #tpu.memory_space<hbm>>
      tpu.enqueue_indirect_dma source(%dma_start3A_59 : memref<1600000xf32, #tpu.memory_space<hbm>>) target(%dma_start3A_54 : memref<80xf32, #tpu.memory_space<vmem>>) offsets(%dma_start3A_57 : memref<80xi32, #tpu.memory_space<vmem>>) semaphore(%arg16 : memref<!tpu.dma_semaphore, #tpu.memory_space<semaphore_mem>>)
      %dma_start3A_60 = arith.constant 4 : i32
      %dma_start3A_61 = arith.constant 4 : i32
      %dma_start3A_62 = arith.constant 0 : i32
      %dma_start3A_63 = tpu.memref_slice %arg13[%dma_start3A_61, %dma_start3A_62] : memref<25x80xf32, #tpu.memory_space<vmem>> -> memref<1x80xf32, #tpu.memory_space<vmem>>
      %dma_start3A_64 = tpu.memref_squeeze %dma_start3A_63 : memref<1x80xf32, #tpu.memory_space<vmem>> -> memref<80xf32, #tpu.memory_space<vmem>>
      %dma_start3A_65 = arith.constant 0 : i32
      %dma_start3A_66 = tpu.memref_slice %arg12[%dma_start3A_60, %dma_start3A_65] : memref<25x80xi32, #tpu.memory_space<vmem>> -> memref<1x80xi32, #tpu.memory_space<vmem>>
      %dma_start3A_67 = tpu.memref_squeeze %dma_start3A_66 : memref<1x80xi32, #tpu.memory_space<vmem>> -> memref<80xi32, #tpu.memory_space<vmem>>
      %dma_start3A_68 = arith.constant 0 : i32
      %dma_start3A_69 = tpu.memref_slice %arg5[%dma_start3A_68] : memref<1600000xf32, #tpu.memory_space<hbm>> -> memref<1600000xf32, #tpu.memory_space<hbm>>
      tpu.enqueue_indirect_dma source(%dma_start3A_69 : memref<1600000xf32, #tpu.memory_space<hbm>>) target(%dma_start3A_64 : memref<80xf32, #tpu.memory_space<vmem>>) offsets(%dma_start3A_67 : memref<80xi32, #tpu.memory_space<vmem>>) semaphore(%arg16 : memref<!tpu.dma_semaphore, #tpu.memory_space<semaphore_mem>>)
      %dma_start3A_70 = arith.constant 5 : i32
      %dma_start3A_71 = arith.constant 5 : i32
      %dma_start3A_72 = arith.constant 0 : i32
      %dma_start3A_73 = tpu.memref_slice %arg13[%dma_start3A_71, %dma_start3A_72] : memref<25x80xf32, #tpu.memory_space<vmem>> -> memref<1x80xf32, #tpu.memory_space<vmem>>
      %dma_start3A_74 = tpu.memref_squeeze %dma_start3A_73 : memref<1x80xf32, #tpu.memory_space<vmem>> -> memref<80xf32, #tpu.memory_space<vmem>>
      %dma_start3A_75 = arith.constant 0 : i32
      %dma_start3A_76 = tpu.memref_slice %arg12[%dma_start3A_70, %dma_start3A_75] : memref<25x80xi32, #tpu.memory_space<vmem>> -> memref<1x80xi32, #tpu.memory_space<vmem>>
      %dma_start3A_77 = tpu.memref_squeeze %dma_start3A_76 : memref<1x80xi32, #tpu.memory_space<vmem>> -> memref<80xi32, #tpu.memory_space<vmem>>
      %dma_start3A_78 = arith.constant 0 : i32
      %dma_start3A_79 = tpu.memref_slice %arg5[%dma_start3A_78] : memref<1600000xf32, #tpu.memory_space<hbm>> -> memref<1600000xf32, #tpu.memory_space<hbm>>
      tpu.enqueue_indirect_dma source(%dma_start3A_79 : memref<1600000xf32, #tpu.memory_space<hbm>>) target(%dma_start3A_74 : memref<80xf32, #tpu.memory_space<vmem>>) offsets(%dma_start3A_77 : memref<80xi32, #tpu.memory_space<vmem>>) semaphore(%arg16 : memref<!tpu.dma_semaphore, #tpu.memory_space<semaphore_mem>>)
      %dma_start3A_80 = arith.constant 6 : i32
      %dma_start3A_81 = arith.constant 6 : i32
      %dma_start3A_82 = arith.constant 0 : i32
      %dma_start3A_83 = tpu.memref_slice %arg13[%dma_start3A_81, %dma_start3A_82] : memref<25x80xf32, #tpu.memory_space<vmem>> -> memref<1x80xf32, #tpu.memory_space<vmem>>
      %dma_start3A_84 = tpu.memref_squeeze %dma_start3A_83 : memref<1x80xf32, #tpu.memory_space<vmem>> -> memref<80xf32, #tpu.memory_space<vmem>>
      %dma_start3A_85 = arith.constant 0 : i32
      %dma_start3A_86 = tpu.memref_slice %arg12[%dma_start3A_80, %dma_start3A_85] : memref<25x80xi32, #tpu.memory_space<vmem>> -> memref<1x80xi32, #tpu.memory_space<vmem>>
      %dma_start3A_87 = tpu.memref_squeeze %dma_start3A_86 : memref<1x80xi32, #tpu.memory_space<vmem>> -> memref<80xi32, #tpu.memory_space<vmem>>
      %dma_start3A_88 = arith.constant 0 : i32
      %dma_start3A_89 = tpu.memref_slice %arg5[%dma_start3A_88] : memref<1600000xf32, #tpu.memory_space<hbm>> -> memref<1600000xf32, #tpu.memory_space<hbm>>
      tpu.enqueue_indirect_dma source(%dma_start3A_89 : memref<1600000xf32, #tpu.memory_space<hbm>>) target(%dma_start3A_84 : memref<80xf32, #tpu.memory_space<vmem>>) offsets(%dma_start3A_87 : memref<80xi32, #tpu.memory_space<vmem>>) semaphore(%arg16 : memref<!tpu.dma_semaphore, #tpu.memory_space<semaphore_mem>>)
      %dma_start3A_90 = arith.constant 7 : i32
      %dma_start3A_91 = arith.constant 7 : i32
      %dma_start3A_92 = arith.constant 0 : i32
      %dma_start3A_93 = tpu.memref_slice %arg13[%dma_start3A_91, %dma_start3A_92] : memref<25x80xf32, #tpu.memory_space<vmem>> -> memref<1x80xf32, #tpu.memory_space<vmem>>
      %dma_start3A_94 = tpu.memref_squeeze %dma_start3A_93 : memref<1x80xf32, #tpu.memory_space<vmem>> -> memref<80xf32, #tpu.memory_space<vmem>>
      %dma_start3A_95 = arith.constant 0 : i32
      %dma_start3A_96 = tpu.memref_slice %arg12[%dma_start3A_90, %dma_start3A_95] : memref<25x80xi32, #tpu.memory_space<vmem>> -> memref<1x80xi32, #tpu.memory_space<vmem>>
      %dma_start3A_97 = tpu.memref_squeeze %dma_start3A_96 : memref<1x80xi32, #tpu.memory_space<vmem>> -> memref<80xi32, #tpu.memory_space<vmem>>
      %dma_start3A_98 = arith.constant 0 : i32
      %dma_start3A_99 = tpu.memref_slice %arg5[%dma_start3A_98] : memref<1600000xf32, #tpu.memory_space<hbm>> -> memref<1600000xf32, #tpu.memory_space<hbm>>
      tpu.enqueue_indirect_dma source(%dma_start3A_99 : memref<1600000xf32, #tpu.memory_space<hbm>>) target(%dma_start3A_94 : memref<80xf32, #tpu.memory_space<vmem>>) offsets(%dma_start3A_97 : memref<80xi32, #tpu.memory_space<vmem>>) semaphore(%arg16 : memref<!tpu.dma_semaphore, #tpu.memory_space<semaphore_mem>>)
      %dma_start3A_100 = arith.constant 8 : i32
      %dma_start3A_101 = arith.constant 8 : i32
      %dma_start3A_102 = arith.constant 0 : i32
      %dma_start3A_103 = tpu.memref_slice %arg13[%dma_start3A_101, %dma_start3A_102] : memref<25x80xf32, #tpu.memory_space<vmem>> -> memref<1x80xf32, #tpu.memory_space<vmem>>
      %dma_start3A_104 = tpu.memref_squeeze %dma_start3A_103 : memref<1x80xf32, #tpu.memory_space<vmem>> -> memref<80xf32, #tpu.memory_space<vmem>>
      %dma_start3A_105 = arith.constant 0 : i32
      %dma_start3A_106 = tpu.memref_slice %arg12[%dma_start3A_100, %dma_start3A_105] : memref<25x80xi32, #tpu.memory_space<vmem>> -> memref<1x80xi32, #tpu.memory_space<vmem>>
      %dma_start3A_107 = tpu.memref_squeeze %dma_start3A_106 : memref<1x80xi32, #tpu.memory_space<vmem>> -> memref<80xi32, #tpu.memory_space<vmem>>
      %dma_start3A_108 = arith.constant 0 : i32
      %dma_start3A_109 = tpu.memref_slice %arg5[%dma_start3A_108] : memref<1600000xf32, #tpu.memory_space<hbm>> -> memref<1600000xf32, #tpu.memory_space<hbm>>
      tpu.enqueue_indirect_dma source(%dma_start3A_109 : memref<1600000xf32, #tpu.memory_space<hbm>>) target(%dma_start3A_104 : memref<80xf32, #tpu.memory_space<vmem>>) offsets(%dma_start3A_107 : memref<80xi32, #tpu.memory_space<vmem>>) semaphore(%arg16 : memref<!tpu.dma_semaphore, #tpu.memory_space<semaphore_mem>>)
      %dma_start3A_110 = arith.constant 9 : i32
      %dma_start3A_111 = arith.constant 9 : i32
      %dma_start3A_112 = arith.constant 0 : i32
      %dma_start3A_113 = tpu.memref_slice %arg13[%dma_start3A_111, %dma_start3A_112] : memref<25x80xf32, #tpu.memory_space<vmem>> -> memref<1x80xf32, #tpu.memory_space<vmem>>
      %dma_start3A_114 = tpu.memref_squeeze %dma_start3A_113 : memref<1x80xf32, #tpu.memory_space<vmem>> -> memref<80xf32, #tpu.memory_space<vmem>>
      %dma_start3A_115 = arith.constant 0 : i32
      %dma_start3A_116 = tpu.memref_slice %arg12[%dma_start3A_110, %dma_start3A_115] : memref<25x80xi32, #tpu.memory_space<vmem>> -> memref<1x80xi32, #tpu.memory_space<vmem>>
      %dma_start3A_117 = tpu.memref_squeeze %dma_start3A_116 : memref<1x80xi32, #tpu.memory_space<vmem>> -> memref<80xi32, #tpu.memory_space<vmem>>
      %dma_start3A_118 = arith.constant 0 : i32
      %dma_start3A_119 = tpu.memref_slice %arg5[%dma_start3A_118] : memref<1600000xf32, #tpu.memory_space<hbm>> -> memref<1600000xf32, #tpu.memory_space<hbm>>
      tpu.enqueue_indirect_dma source(%dma_start3A_119 : memref<1600000xf32, #tpu.memory_space<hbm>>) target(%dma_start3A_114 : memref<80xf32, #tpu.memory_space<vmem>>) offsets(%dma_start3A_117 : memref<80xi32, #tpu.memory_space<vmem>>) semaphore(%arg16 : memref<!tpu.dma_semaphore, #tpu.memory_space<semaphore_mem>>)
      %dma_start3A_120 = arith.constant 10 : i32
      %dma_start3A_121 = arith.constant 10 : i32
      %dma_start3A_122 = arith.constant 0 : i32
      %dma_start3A_123 = tpu.memref_slice %arg13[%dma_start3A_121, %dma_start3A_122] : memref<25x80xf32, #tpu.memory_space<vmem>> -> memref<1x80xf32, #tpu.memory_space<vmem>>
      %dma_start3A_124 = tpu.memref_squeeze %dma_start3A_123 : memref<1x80xf32, #tpu.memory_space<vmem>> -> memref<80xf32, #tpu.memory_space<vmem>>
      %dma_start3A_125 = arith.constant 0 : i32
      %dma_start3A_126 = tpu.memref_slice %arg12[%dma_start3A_120, %dma_start3A_125] : memref<25x80xi32, #tpu.memory_space<vmem>> -> memref<1x80xi32, #tpu.memory_space<vmem>>
      %dma_start3A_127 = tpu.memref_squeeze %dma_start3A_126 : memref<1x80xi32, #tpu.memory_space<vmem>> -> memref<80xi32, #tpu.memory_space<vmem>>
      %dma_start3A_128 = arith.constant 0 : i32
      %dma_start3A_129 = tpu.memref_slice %arg5[%dma_start3A_128] : memref<1600000xf32, #tpu.memory_space<hbm>> -> memref<1600000xf32, #tpu.memory_space<hbm>>
      tpu.enqueue_indirect_dma source(%dma_start3A_129 : memref<1600000xf32, #tpu.memory_space<hbm>>) target(%dma_start3A_124 : memref<80xf32, #tpu.memory_space<vmem>>) offsets(%dma_start3A_127 : memref<80xi32, #tpu.memory_space<vmem>>) semaphore(%arg16 : memref<!tpu.dma_semaphore, #tpu.memory_space<semaphore_mem>>)
      %dma_start3A_130 = arith.constant 11 : i32
      %dma_start3A_131 = arith.constant 11 : i32
      %dma_start3A_132 = arith.constant 0 : i32
      %dma_start3A_133 = tpu.memref_slice %arg13[%dma_start3A_131, %dma_start3A_132] : memref<25x80xf32, #tpu.memory_space<vmem>> -> memref<1x80xf32, #tpu.memory_space<vmem>>
      %dma_start3A_134 = tpu.memref_squeeze %dma_start3A_133 : memref<1x80xf32, #tpu.memory_space<vmem>> -> memref<80xf32, #tpu.memory_space<vmem>>
      %dma_start3A_135 = arith.constant 0 : i32
      %dma_start3A_136 = tpu.memref_slice %arg12[%dma_start3A_130, %dma_start3A_135] : memref<25x80xi32, #tpu.memory_space<vmem>> -> memref<1x80xi32, #tpu.memory_space<vmem>>
      %dma_start3A_137 = tpu.memref_squeeze %dma_start3A_136 : memref<1x80xi32, #tpu.memory_space<vmem>> -> memref<80xi32, #tpu.memory_space<vmem>>
      %dma_start3A_138 = arith.constant 0 : i32
      %dma_start3A_139 = tpu.memref_slice %arg5[%dma_start3A_138] : memref<1600000xf32, #tpu.memory_space<hbm>> -> memref<1600000xf32, #tpu.memory_space<hbm>>
      tpu.enqueue_indirect_dma source(%dma_start3A_139 : memref<1600000xf32, #tpu.memory_space<hbm>>) target(%dma_start3A_134 : memref<80xf32, #tpu.memory_space<vmem>>) offsets(%dma_start3A_137 : memref<80xi32, #tpu.memory_space<vmem>>) semaphore(%arg16 : memref<!tpu.dma_semaphore, #tpu.memory_space<semaphore_mem>>)
      %dma_start3A_140 = arith.constant 12 : i32
      %dma_start3A_141 = arith.constant 12 : i32
      %dma_start3A_142 = arith.constant 0 : i32
      %dma_start3A_143 = tpu.memref_slice %arg13[%dma_start3A_141, %dma_start3A_142] : memref<25x80xf32, #tpu.memory_space<vmem>> -> memref<1x80xf32, #tpu.memory_space<vmem>>
      %dma_start3A_144 = tpu.memref_squeeze %dma_start3A_143 : memref<1x80xf32, #tpu.memory_space<vmem>> -> memref<80xf32, #tpu.memory_space<vmem>>
      %dma_start3A_145 = arith.constant 0 : i32
      %dma_start3A_146 = tpu.memref_slice %arg12[%dma_start3A_140, %dma_start3A_145] : memref<25x80xi32, #tpu.memory_space<vmem>> -> memref<1x80xi32, #tpu.memory_space<vmem>>
      %dma_start3A_147 = tpu.memref_squeeze %dma_start3A_146 : memref<1x80xi32, #tpu.memory_space<vmem>> -> memref<80xi32, #tpu.memory_space<vmem>>
      %dma_start3A_148 = arith.constant 0 : i32
      %dma_start3A_149 = tpu.memref_slice %arg5[%dma_start3A_148] : memref<1600000xf32, #tpu.memory_space<hbm>> -> memref<1600000xf32, #tpu.memory_space<hbm>>
      tpu.enqueue_indirect_dma source(%dma_start3A_149 : memref<1600000xf32, #tpu.memory_space<hbm>>) target(%dma_start3A_144 : memref<80xf32, #tpu.memory_space<vmem>>) offsets(%dma_start3A_147 : memref<80xi32, #tpu.memory_space<vmem>>) semaphore(%arg16 : memref<!tpu.dma_semaphore, #tpu.memory_space<semaphore_mem>>)
      %dma_start3A_150 = arith.constant 13 : i32
      %dma_start3A_151 = arith.constant 13 : i32
      %dma_start3A_152 = arith.constant 0 : i32
      %dma_start3A_153 = tpu.memref_slice %arg13[%dma_start3A_151, %dma_start3A_152] : memref<25x80xf32, #tpu.memory_space<vmem>> -> memref<1x80xf32, #tpu.memory_space<vmem>>
      %dma_start3A_154 = tpu.memref_squeeze %dma_start3A_153 : memref<1x80xf32, #tpu.memory_space<vmem>> -> memref<80xf32, #tpu.memory_space<vmem>>
      %dma_start3A_155 = arith.constant 0 : i32
      %dma_start3A_156 = tpu.memref_slice %arg12[%dma_start3A_150, %dma_start3A_155] : memref<25x80xi32, #tpu.memory_space<vmem>> -> memref<1x80xi32, #tpu.memory_space<vmem>>
      %dma_start3A_157 = tpu.memref_squeeze %dma_start3A_156 : memref<1x80xi32, #tpu.memory_space<vmem>> -> memref<80xi32, #tpu.memory_space<vmem>>
      %dma_start3A_158 = arith.constant 0 : i32
      %dma_start3A_159 = tpu.memref_slice %arg5[%dma_start3A_158] : memref<1600000xf32, #tpu.memory_space<hbm>> -> memref<1600000xf32, #tpu.memory_space<hbm>>
      tpu.enqueue_indirect_dma source(%dma_start3A_159 : memref<1600000xf32, #tpu.memory_space<hbm>>) target(%dma_start3A_154 : memref<80xf32, #tpu.memory_space<vmem>>) offsets(%dma_start3A_157 : memref<80xi32, #tpu.memory_space<vmem>>) semaphore(%arg16 : memref<!tpu.dma_semaphore, #tpu.memory_space<semaphore_mem>>)
      %dma_start3A_160 = arith.constant 14 : i32
      %dma_start3A_161 = arith.constant 14 : i32
      %dma_start3A_162 = arith.constant 0 : i32
      %dma_start3A_163 = tpu.memref_slice %arg13[%dma_start3A_161, %dma_start3A_162] : memref<25x80xf32, #tpu.memory_space<vmem>> -> memref<1x80xf32, #tpu.memory_space<vmem>>
      %dma_start3A_164 = tpu.memref_squeeze %dma_start3A_163 : memref<1x80xf32, #tpu.memory_space<vmem>> -> memref<80xf32, #tpu.memory_space<vmem>>
      %dma_start3A_165 = arith.constant 0 : i32
      %dma_start3A_166 = tpu.memref_slice %arg12[%dma_start3A_160, %dma_start3A_165] : memref<25x80xi32, #tpu.memory_space<vmem>> -> memref<1x80xi32, #tpu.memory_space<vmem>>
      %dma_start3A_167 = tpu.memref_squeeze %dma_start3A_166 : memref<1x80xi32, #tpu.memory_space<vmem>> -> memref<80xi32, #tpu.memory_space<vmem>>
      %dma_start3A_168 = arith.constant 0 : i32
      %dma_start3A_169 = tpu.memref_slice %arg5[%dma_start3A_168] : memref<1600000xf32, #tpu.memory_space<hbm>> -> memref<1600000xf32, #tpu.memory_space<hbm>>
      tpu.enqueue_indirect_dma source(%dma_start3A_169 : memref<1600000xf32, #tpu.memory_space<hbm>>) target(%dma_start3A_164 : memref<80xf32, #tpu.memory_space<vmem>>) offsets(%dma_start3A_167 : memref<80xi32, #tpu.memory_space<vmem>>) semaphore(%arg16 : memref<!tpu.dma_semaphore, #tpu.memory_space<semaphore_mem>>)
      %dma_start3A_170 = arith.constant 15 : i32
      %dma_start3A_171 = arith.constant 15 : i32
      %dma_start3A_172 = arith.constant 0 : i32
      %dma_start3A_173 = tpu.memref_slice %arg13[%dma_start3A_171, %dma_start3A_172] : memref<25x80xf32, #tpu.memory_space<vmem>> -> memref<1x80xf32, #tpu.memory_space<vmem>>
      %dma_start3A_174 = tpu.memref_squeeze %dma_start3A_173 : memref<1x80xf32, #tpu.memory_space<vmem>> -> memref<80xf32, #tpu.memory_space<vmem>>
      %dma_start3A_175 = arith.constant 0 : i32
      %dma_start3A_176 = tpu.memref_slice %arg12[%dma_start3A_170, %dma_start3A_175] : memref<25x80xi32, #tpu.memory_space<vmem>> -> memref<1x80xi32, #tpu.memory_space<vmem>>
      %dma_start3A_177 = tpu.memref_squeeze %dma_start3A_176 : memref<1x80xi32, #tpu.memory_space<vmem>> -> memref<80xi32, #tpu.memory_space<vmem>>
      %dma_start3A_178 = arith.constant 0 : i32
      %dma_start3A_179 = tpu.memref_slice %arg5[%dma_start3A_178] : memref<1600000xf32, #tpu.memory_space<hbm>> -> memref<1600000xf32, #tpu.memory_space<hbm>>
      tpu.enqueue_indirect_dma source(%dma_start3A_179 : memref<1600000xf32, #tpu.memory_space<hbm>>) target(%dma_start3A_174 : memref<80xf32, #tpu.memory_space<vmem>>) offsets(%dma_start3A_177 : memref<80xi32, #tpu.memory_space<vmem>>) semaphore(%arg16 : memref<!tpu.dma_semaphore, #tpu.memory_space<semaphore_mem>>)
      %dma_start3A_180 = arith.constant 16 : i32
      %dma_start3A_181 = arith.constant 16 : i32
      %dma_start3A_182 = arith.constant 0 : i32
      %dma_start3A_183 = tpu.memref_slice %arg13[%dma_start3A_181, %dma_start3A_182] : memref<25x80xf32, #tpu.memory_space<vmem>> -> memref<1x80xf32, #tpu.memory_space<vmem>>
      %dma_start3A_184 = tpu.memref_squeeze %dma_start3A_183 : memref<1x80xf32, #tpu.memory_space<vmem>> -> memref<80xf32, #tpu.memory_space<vmem>>
      %dma_start3A_185 = arith.constant 0 : i32
      %dma_start3A_186 = tpu.memref_slice %arg12[%dma_start3A_180, %dma_start3A_185] : memref<25x80xi32, #tpu.memory_space<vmem>> -> memref<1x80xi32, #tpu.memory_space<vmem>>
      %dma_start3A_187 = tpu.memref_squeeze %dma_start3A_186 : memref<1x80xi32, #tpu.memory_space<vmem>> -> memref<80xi32, #tpu.memory_space<vmem>>
      %dma_start3A_188 = arith.constant 0 : i32
      %dma_start3A_189 = tpu.memref_slice %arg5[%dma_start3A_188] : memref<1600000xf32, #tpu.memory_space<hbm>> -> memref<1600000xf32, #tpu.memory_space<hbm>>
      tpu.enqueue_indirect_dma source(%dma_start3A_189 : memref<1600000xf32, #tpu.memory_space<hbm>>) target(%dma_start3A_184 : memref<80xf32, #tpu.memory_space<vmem>>) offsets(%dma_start3A_187 : memref<80xi32, #tpu.memory_space<vmem>>) semaphore(%arg16 : memref<!tpu.dma_semaphore, #tpu.memory_space<semaphore_mem>>)
      %dma_start3A_190 = arith.constant 17 : i32
      %dma_start3A_191 = arith.constant 17 : i32
      %dma_start3A_192 = arith.constant 0 : i32
      %dma_start3A_193 = tpu.memref_slice %arg13[%dma_start3A_191, %dma_start3A_192] : memref<25x80xf32, #tpu.memory_space<vmem>> -> memref<1x80xf32, #tpu.memory_space<vmem>>
      %dma_start3A_194 = tpu.memref_squeeze %dma_start3A_193 : memref<1x80xf32, #tpu.memory_space<vmem>> -> memref<80xf32, #tpu.memory_space<vmem>>
      %dma_start3A_195 = arith.constant 0 : i32
      %dma_start3A_196 = tpu.memref_slice %arg12[%dma_start3A_190, %dma_start3A_195] : memref<25x80xi32, #tpu.memory_space<vmem>> -> memref<1x80xi32, #tpu.memory_space<vmem>>
      %dma_start3A_197 = tpu.memref_squeeze %dma_start3A_196 : memref<1x80xi32, #tpu.memory_space<vmem>> -> memref<80xi32, #tpu.memory_space<vmem>>
      %dma_start3A_198 = arith.constant 0 : i32
      %dma_start3A_199 = tpu.memref_slice %arg5[%dma_start3A_198] : memref<1600000xf32, #tpu.memory_space<hbm>> -> memref<1600000xf32, #tpu.memory_space<hbm>>
      tpu.enqueue_indirect_dma source(%dma_start3A_199 : memref<1600000xf32, #tpu.memory_space<hbm>>) target(%dma_start3A_194 : memref<80xf32, #tpu.memory_space<vmem>>) offsets(%dma_start3A_197 : memref<80xi32, #tpu.memory_space<vmem>>) semaphore(%arg16 : memref<!tpu.dma_semaphore, #tpu.memory_space<semaphore_mem>>)
      %dma_start3A_200 = arith.constant 18 : i32
      %dma_start3A_201 = arith.constant 18 : i32
      %dma_start3A_202 = arith.constant 0 : i32
      %dma_start3A_203 = tpu.memref_slice %arg13[%dma_start3A_201, %dma_start3A_202] : memref<25x80xf32, #tpu.memory_space<vmem>> -> memref<1x80xf32, #tpu.memory_space<vmem>>
      %dma_start3A_204 = tpu.memref_squeeze %dma_start3A_203 : memref<1x80xf32, #tpu.memory_space<vmem>> -> memref<80xf32, #tpu.memory_space<vmem>>
      %dma_start3A_205 = arith.constant 0 : i32
      %dma_start3A_206 = tpu.memref_slice %arg12[%dma_start3A_200, %dma_start3A_205] : memref<25x80xi32, #tpu.memory_space<vmem>> -> memref<1x80xi32, #tpu.memory_space<vmem>>
      %dma_start3A_207 = tpu.memref_squeeze %dma_start3A_206 : memref<1x80xi32, #tpu.memory_space<vmem>> -> memref<80xi32, #tpu.memory_space<vmem>>
      %dma_start3A_208 = arith.constant 0 : i32
      %dma_start3A_209 = tpu.memref_slice %arg5[%dma_start3A_208] : memref<1600000xf32, #tpu.memory_space<hbm>> -> memref<1600000xf32, #tpu.memory_space<hbm>>
      tpu.enqueue_indirect_dma source(%dma_start3A_209 : memref<1600000xf32, #tpu.memory_space<hbm>>) target(%dma_start3A_204 : memref<80xf32, #tpu.memory_space<vmem>>) offsets(%dma_start3A_207 : memref<80xi32, #tpu.memory_space<vmem>>) semaphore(%arg16 : memref<!tpu.dma_semaphore, #tpu.memory_space<semaphore_mem>>)
      %dma_start3A_210 = arith.constant 19 : i32
      %dma_start3A_211 = arith.constant 19 : i32
      %dma_start3A_212 = arith.constant 0 : i32
      %dma_start3A_213 = tpu.memref_slice %arg13[%dma_start3A_211, %dma_start3A_212] : memref<25x80xf32, #tpu.memory_space<vmem>> -> memref<1x80xf32, #tpu.memory_space<vmem>>
      %dma_start3A_214 = tpu.memref_squeeze %dma_start3A_213 : memref<1x80xf32, #tpu.memory_space<vmem>> -> memref<80xf32, #tpu.memory_space<vmem>>
      %dma_start3A_215 = arith.constant 0 : i32
      %dma_start3A_216 = tpu.memref_slice %arg12[%dma_start3A_210, %dma_start3A_215] : memref<25x80xi32, #tpu.memory_space<vmem>> -> memref<1x80xi32, #tpu.memory_space<vmem>>
      %dma_start3A_217 = tpu.memref_squeeze %dma_start3A_216 : memref<1x80xi32, #tpu.memory_space<vmem>> -> memref<80xi32, #tpu.memory_space<vmem>>
      %dma_start3A_218 = arith.constant 0 : i32
      %dma_start3A_219 = tpu.memref_slice %arg5[%dma_start3A_218] : memref<1600000xf32, #tpu.memory_space<hbm>> -> memref<1600000xf32, #tpu.memory_space<hbm>>
      tpu.enqueue_indirect_dma source(%dma_start3A_219 : memref<1600000xf32, #tpu.memory_space<hbm>>) target(%dma_start3A_214 : memref<80xf32, #tpu.memory_space<vmem>>) offsets(%dma_start3A_217 : memref<80xi32, #tpu.memory_space<vmem>>) semaphore(%arg16 : memref<!tpu.dma_semaphore, #tpu.memory_space<semaphore_mem>>)
      %dma_start3A_220 = arith.constant 20 : i32
      %dma_start3A_221 = arith.constant 20 : i32
      %dma_start3A_222 = arith.constant 0 : i32
      %dma_start3A_223 = tpu.memref_slice %arg13[%dma_start3A_221, %dma_start3A_222] : memref<25x80xf32, #tpu.memory_space<vmem>> -> memref<1x80xf32, #tpu.memory_space<vmem>>
      %dma_start3A_224 = tpu.memref_squeeze %dma_start3A_223 : memref<1x80xf32, #tpu.memory_space<vmem>> -> memref<80xf32, #tpu.memory_space<vmem>>
      %dma_start3A_225 = arith.constant 0 : i32
      %dma_start3A_226 = tpu.memref_slice %arg12[%dma_start3A_220, %dma_start3A_225] : memref<25x80xi32, #tpu.memory_space<vmem>> -> memref<1x80xi32, #tpu.memory_space<vmem>>
      %dma_start3A_227 = tpu.memref_squeeze %dma_start3A_226 : memref<1x80xi32, #tpu.memory_space<vmem>> -> memref<80xi32, #tpu.memory_space<vmem>>
      %dma_start3A_228 = arith.constant 0 : i32
      %dma_start3A_229 = tpu.memref_slice %arg5[%dma_start3A_228] : memref<1600000xf32, #tpu.memory_space<hbm>> -> memref<1600000xf32, #tpu.memory_space<hbm>>
      tpu.enqueue_indirect_dma source(%dma_start3A_229 : memref<1600000xf32, #tpu.memory_space<hbm>>) target(%dma_start3A_224 : memref<80xf32, #tpu.memory_space<vmem>>) offsets(%dma_start3A_227 : memref<80xi32, #tpu.memory_space<vmem>>) semaphore(%arg16 : memref<!tpu.dma_semaphore, #tpu.memory_space<semaphore_mem>>)
      %dma_start3A_230 = arith.constant 21 : i32
      %dma_start3A_231 = arith.constant 21 : i32
      %dma_start3A_232 = arith.constant 0 : i32
      %dma_start3A_233 = tpu.memref_slice %arg13[%dma_start3A_231, %dma_start3A_232] : memref<25x80xf32, #tpu.memory_space<vmem>> -> memref<1x80xf32, #tpu.memory_space<vmem>>
      %dma_start3A_234 = tpu.memref_squeeze %dma_start3A_233 : memref<1x80xf32, #tpu.memory_space<vmem>> -> memref<80xf32, #tpu.memory_space<vmem>>
      %dma_start3A_235 = arith.constant 0 : i32
      %dma_start3A_236 = tpu.memref_slice %arg12[%dma_start3A_230, %dma_start3A_235] : memref<25x80xi32, #tpu.memory_space<vmem>> -> memref<1x80xi32, #tpu.memory_space<vmem>>
      %dma_start3A_237 = tpu.memref_squeeze %dma_start3A_236 : memref<1x80xi32, #tpu.memory_space<vmem>> -> memref<80xi32, #tpu.memory_space<vmem>>
      %dma_start3A_238 = arith.constant 0 : i32
      %dma_start3A_239 = tpu.memref_slice %arg5[%dma_start3A_238] : memref<1600000xf32, #tpu.memory_space<hbm>> -> memref<1600000xf32, #tpu.memory_space<hbm>>
      tpu.enqueue_indirect_dma source(%dma_start3A_239 : memref<1600000xf32, #tpu.memory_space<hbm>>) target(%dma_start3A_234 : memref<80xf32, #tpu.memory_space<vmem>>) offsets(%dma_start3A_237 : memref<80xi32, #tpu.memory_space<vmem>>) semaphore(%arg16 : memref<!tpu.dma_semaphore, #tpu.memory_space<semaphore_mem>>)
      %dma_start3A_240 = arith.constant 22 : i32
      %dma_start3A_241 = arith.constant 22 : i32
      %dma_start3A_242 = arith.constant 0 : i32
      %dma_start3A_243 = tpu.memref_slice %arg13[%dma_start3A_241, %dma_start3A_242] : memref<25x80xf32, #tpu.memory_space<vmem>> -> memref<1x80xf32, #tpu.memory_space<vmem>>
      %dma_start3A_244 = tpu.memref_squeeze %dma_start3A_243 : memref<1x80xf32, #tpu.memory_space<vmem>> -> memref<80xf32, #tpu.memory_space<vmem>>
      %dma_start3A_245 = arith.constant 0 : i32
      %dma_start3A_246 = tpu.memref_slice %arg12[%dma_start3A_240, %dma_start3A_245] : memref<25x80xi32, #tpu.memory_space<vmem>> -> memref<1x80xi32, #tpu.memory_space<vmem>>
      %dma_start3A_247 = tpu.memref_squeeze %dma_start3A_246 : memref<1x80xi32, #tpu.memory_space<vmem>> -> memref<80xi32, #tpu.memory_space<vmem>>
      %dma_start3A_248 = arith.constant 0 : i32
      %dma_start3A_249 = tpu.memref_slice %arg5[%dma_start3A_248] : memref<1600000xf32, #tpu.memory_space<hbm>> -> memref<1600000xf32, #tpu.memory_space<hbm>>
      tpu.enqueue_indirect_dma source(%dma_start3A_249 : memref<1600000xf32, #tpu.memory_space<hbm>>) target(%dma_start3A_244 : memref<80xf32, #tpu.memory_space<vmem>>) offsets(%dma_start3A_247 : memref<80xi32, #tpu.memory_space<vmem>>) semaphore(%arg16 : memref<!tpu.dma_semaphore, #tpu.memory_space<semaphore_mem>>)
      %dma_start3A_250 = arith.constant 23 : i32
      %dma_start3A_251 = arith.constant 23 : i32
      %dma_start3A_252 = arith.constant 0 : i32
      %dma_start3A_253 = tpu.memref_slice %arg13[%dma_start3A_251, %dma_start3A_252] : memref<25x80xf32, #tpu.memory_space<vmem>> -> memref<1x80xf32, #tpu.memory_space<vmem>>
      %dma_start3A_254 = tpu.memref_squeeze %dma_start3A_253 : memref<1x80xf32, #tpu.memory_space<vmem>> -> memref<80xf32, #tpu.memory_space<vmem>>
      %dma_start3A_255 = arith.constant 0 : i32
      %dma_start3A_256 = tpu.memref_slice %arg12[%dma_start3A_250, %dma_start3A_255] : memref<25x80xi32, #tpu.memory_space<vmem>> -> memref<1x80xi32, #tpu.memory_space<vmem>>
      %dma_start3A_257 = tpu.memref_squeeze %dma_start3A_256 : memref<1x80xi32, #tpu.memory_space<vmem>> -> memref<80xi32, #tpu.memory_space<vmem>>
      %dma_start3A_258 = arith.constant 0 : i32
      %dma_start3A_259 = tpu.memref_slice %arg5[%dma_start3A_258] : memref<1600000xf32, #tpu.memory_space<hbm>> -> memref<1600000xf32, #tpu.memory_space<hbm>>
      tpu.enqueue_indirect_dma source(%dma_start3A_259 : memref<1600000xf32, #tpu.memory_space<hbm>>) target(%dma_start3A_254 : memref<80xf32, #tpu.memory_space<vmem>>) offsets(%dma_start3A_257 : memref<80xi32, #tpu.memory_space<vmem>>) semaphore(%arg16 : memref<!tpu.dma_semaphore, #tpu.memory_space<semaphore_mem>>)
      %dma_start3A_260 = arith.constant 24 : i32
      %dma_start3A_261 = arith.constant 24 : i32
      %dma_start3A_262 = arith.constant 0 : i32
      %dma_start3A_263 = tpu.memref_slice %arg13[%dma_start3A_261, %dma_start3A_262] : memref<25x80xf32, #tpu.memory_space<vmem>> -> memref<1x80xf32, #tpu.memory_space<vmem>>
      %dma_start3A_264 = tpu.memref_squeeze %dma_start3A_263 : memref<1x80xf32, #tpu.memory_space<vmem>> -> memref<80xf32, #tpu.memory_space<vmem>>
      %dma_start3A_265 = arith.constant 0 : i32
      %dma_start3A_266 = tpu.memref_slice %arg12[%dma_start3A_260, %dma_start3A_265] : memref<25x80xi32, #tpu.memory_space<vmem>> -> memref<1x80xi32, #tpu.memory_space<vmem>>
      %dma_start3A_267 = tpu.memref_squeeze %dma_start3A_266 : memref<1x80xi32, #tpu.memory_space<vmem>> -> memref<80xi32, #tpu.memory_space<vmem>>
      %dma_start3A_268 = arith.constant 0 : i32
      %dma_start3A_269 = tpu.memref_slice %arg5[%dma_start3A_268] : memref<1600000xf32, #tpu.memory_space<hbm>> -> memref<1600000xf32, #tpu.memory_space<hbm>>
      tpu.enqueue_indirect_dma source(%dma_start3A_269 : memref<1600000xf32, #tpu.memory_space<hbm>>) target(%dma_start3A_264 : memref<80xf32, #tpu.memory_space<vmem>>) offsets(%dma_start3A_267 : memref<80xi32, #tpu.memory_space<vmem>>) semaphore(%arg16 : memref<!tpu.dma_semaphore, #tpu.memory_space<semaphore_mem>>)
      "tpu.region"() ({
        %run_scoped3A = tpu.sem_alloc : memref<!tpu.dma_semaphore, #tpu.memory_space<semaphore_mem>>
        %dma_start3A_527 = tpu.memref_slice %arg5[%add3A_13] : memref<1600000xf32, #tpu.memory_space<hbm>> -> memref<2000xf32, #tpu.memory_space<hbm>>
        %dma_start3A_528 = tpu.memref_slice %arg5[%add3A_13] : memref<1600000xf32, #tpu.memory_space<hbm>> -> memref<2000xf32, #tpu.memory_space<hbm>>
        tpu.enqueue_dma source(%dma_start3A_528 : memref<2000xf32, #tpu.memory_space<hbm>>) target(%arg14 : memref<2000xf32, #tpu.memory_space<vmem>>) target_semaphore(%run_scoped3A : memref<!tpu.dma_semaphore, #tpu.memory_space<semaphore_mem>>)
        %dma_wait3A_529 = tpu.memref_slice %arg5[%add3A_13] : memref<1600000xf32, #tpu.memory_space<hbm>> -> memref<2000xf32, #tpu.memory_space<hbm>>
        %dma_wait3A_530 = tpu.memref_slice %arg5[%add3A_13] : memref<1600000xf32, #tpu.memory_space<hbm>> -> memref<2000xf32, #tpu.memory_space<hbm>>
        tpu.wait_dma2 semaphore(%run_scoped3A : memref<!tpu.dma_semaphore, #tpu.memory_space<semaphore_mem>>) src(%dma_wait3A_530 : memref<2000xf32, #tpu.memory_space<hbm>>) dst(%arg14 : memref<2000xf32, #tpu.memory_space<vmem>>)
        tpu.yield
      }) : () -> ()
      %dma_wait3A = arith.constant 0 : i32
      %dma_wait3A_270 = arith.constant 0 : i32
      %dma_wait3A_271 = arith.constant 0 : i32
      %dma_wait3A_272 = tpu.memref_slice %arg13[%dma_wait3A_270, %dma_wait3A_271] : memref<25x80xf32, #tpu.memory_space<vmem>> -> memref<1x80xf32, #tpu.memory_space<vmem>>
      %dma_wait3A_273 = tpu.memref_squeeze %dma_wait3A_272 : memref<1x80xf32, #tpu.memory_space<vmem>> -> memref<80xf32, #tpu.memory_space<vmem>>
      %dma_wait3A_274 = arith.constant 0 : i32
      %dma_wait3A_275 = tpu.memref_slice %arg12[%dma_wait3A, %dma_wait3A_274] : memref<25x80xi32, #tpu.memory_space<vmem>> -> memref<1x80xi32, #tpu.memory_space<vmem>>
      %dma_wait3A_276 = tpu.memref_squeeze %dma_wait3A_275 : memref<1x80xi32, #tpu.memory_space<vmem>> -> memref<80xi32, #tpu.memory_space<vmem>>
      %dma_wait3A_277 = arith.constant 0 : i32
      %dma_wait3A_278 = tpu.memref_slice %arg5[%dma_wait3A_277] : memref<1600000xf32, #tpu.memory_space<hbm>> -> memref<1600000xf32, #tpu.memory_space<hbm>>
      tpu.wait_indirect_dma semaphore(%arg16 : memref<!tpu.dma_semaphore, #tpu.memory_space<semaphore_mem>>) src(%dma_wait3A_278 : memref<1600000xf32, #tpu.memory_space<hbm>>) dst(%dma_wait3A_273 : memref<80xf32, #tpu.memory_space<vmem>>)
      %dma_wait3A_279 = arith.constant 1 : i32
      %dma_wait3A_280 = arith.constant 1 : i32
      %dma_wait3A_281 = arith.constant 0 : i32
      %dma_wait3A_282 = tpu.memref_slice %arg13[%dma_wait3A_280, %dma_wait3A_281] : memref<25x80xf32, #tpu.memory_space<vmem>> -> memref<1x80xf32, #tpu.memory_space<vmem>>
      %dma_wait3A_283 = tpu.memref_squeeze %dma_wait3A_282 : memref<1x80xf32, #tpu.memory_space<vmem>> -> memref<80xf32, #tpu.memory_space<vmem>>
      %dma_wait3A_284 = arith.constant 0 : i32
      %dma_wait3A_285 = tpu.memref_slice %arg12[%dma_wait3A_279, %dma_wait3A_284] : memref<25x80xi32, #tpu.memory_space<vmem>> -> memref<1x80xi32, #tpu.memory_space<vmem>>
      %dma_wait3A_286 = tpu.memref_squeeze %dma_wait3A_285 : memref<1x80xi32, #tpu.memory_space<vmem>> -> memref<80xi32, #tpu.memory_space<vmem>>
      %dma_wait3A_287 = arith.constant 0 : i32
      %dma_wait3A_288 = tpu.memref_slice %arg5[%dma_wait3A_287] : memref<1600000xf32, #tpu.memory_space<hbm>> -> memref<1600000xf32, #tpu.memory_space<hbm>>
      tpu.wait_indirect_dma semaphore(%arg16 : memref<!tpu.dma_semaphore, #tpu.memory_space<semaphore_mem>>) src(%dma_wait3A_288 : memref<1600000xf32, #tpu.memory_space<hbm>>) dst(%dma_wait3A_283 : memref<80xf32, #tpu.memory_space<vmem>>)
      %dma_wait3A_289 = arith.constant 2 : i32
      %dma_wait3A_290 = arith.constant 2 : i32
      %dma_wait3A_291 = arith.constant 0 : i32
      %dma_wait3A_292 = tpu.memref_slice %arg13[%dma_wait3A_290, %dma_wait3A_291] : memref<25x80xf32, #tpu.memory_space<vmem>> -> memref<1x80xf32, #tpu.memory_space<vmem>>
      %dma_wait3A_293 = tpu.memref_squeeze %dma_wait3A_292 : memref<1x80xf32, #tpu.memory_space<vmem>> -> memref<80xf32, #tpu.memory_space<vmem>>
      %dma_wait3A_294 = arith.constant 0 : i32
      %dma_wait3A_295 = tpu.memref_slice %arg12[%dma_wait3A_289, %dma_wait3A_294] : memref<25x80xi32, #tpu.memory_space<vmem>> -> memref<1x80xi32, #tpu.memory_space<vmem>>
      %dma_wait3A_296 = tpu.memref_squeeze %dma_wait3A_295 : memref<1x80xi32, #tpu.memory_space<vmem>> -> memref<80xi32, #tpu.memory_space<vmem>>
      %dma_wait3A_297 = arith.constant 0 : i32
      %dma_wait3A_298 = tpu.memref_slice %arg5[%dma_wait3A_297] : memref<1600000xf32, #tpu.memory_space<hbm>> -> memref<1600000xf32, #tpu.memory_space<hbm>>
      tpu.wait_indirect_dma semaphore(%arg16 : memref<!tpu.dma_semaphore, #tpu.memory_space<semaphore_mem>>) src(%dma_wait3A_298 : memref<1600000xf32, #tpu.memory_space<hbm>>) dst(%dma_wait3A_293 : memref<80xf32, #tpu.memory_space<vmem>>)
      %dma_wait3A_299 = arith.constant 3 : i32
      %dma_wait3A_300 = arith.constant 3 : i32
      %dma_wait3A_301 = arith.constant 0 : i32
      %dma_wait3A_302 = tpu.memref_slice %arg13[%dma_wait3A_300, %dma_wait3A_301] : memref<25x80xf32, #tpu.memory_space<vmem>> -> memref<1x80xf32, #tpu.memory_space<vmem>>
      %dma_wait3A_303 = tpu.memref_squeeze %dma_wait3A_302 : memref<1x80xf32, #tpu.memory_space<vmem>> -> memref<80xf32, #tpu.memory_space<vmem>>
      %dma_wait3A_304 = arith.constant 0 : i32
      %dma_wait3A_305 = tpu.memref_slice %arg12[%dma_wait3A_299, %dma_wait3A_304] : memref<25x80xi32, #tpu.memory_space<vmem>> -> memref<1x80xi32, #tpu.memory_space<vmem>>
      %dma_wait3A_306 = tpu.memref_squeeze %dma_wait3A_305 : memref<1x80xi32, #tpu.memory_space<vmem>> -> memref<80xi32, #tpu.memory_space<vmem>>
      %dma_wait3A_307 = arith.constant 0 : i32
      %dma_wait3A_308 = tpu.memref_slice %arg5[%dma_wait3A_307] : memref<1600000xf32, #tpu.memory_space<hbm>> -> memref<1600000xf32, #tpu.memory_space<hbm>>
      tpu.wait_indirect_dma semaphore(%arg16 : memref<!tpu.dma_semaphore, #tpu.memory_space<semaphore_mem>>) src(%dma_wait3A_308 : memref<1600000xf32, #tpu.memory_space<hbm>>) dst(%dma_wait3A_303 : memref<80xf32, #tpu.memory_space<vmem>>)
      %dma_wait3A_309 = arith.constant 4 : i32
      %dma_wait3A_310 = arith.constant 4 : i32
      %dma_wait3A_311 = arith.constant 0 : i32
      %dma_wait3A_312 = tpu.memref_slice %arg13[%dma_wait3A_310, %dma_wait3A_311] : memref<25x80xf32, #tpu.memory_space<vmem>> -> memref<1x80xf32, #tpu.memory_space<vmem>>
      %dma_wait3A_313 = tpu.memref_squeeze %dma_wait3A_312 : memref<1x80xf32, #tpu.memory_space<vmem>> -> memref<80xf32, #tpu.memory_space<vmem>>
      %dma_wait3A_314 = arith.constant 0 : i32
      %dma_wait3A_315 = tpu.memref_slice %arg12[%dma_wait3A_309, %dma_wait3A_314] : memref<25x80xi32, #tpu.memory_space<vmem>> -> memref<1x80xi32, #tpu.memory_space<vmem>>
      %dma_wait3A_316 = tpu.memref_squeeze %dma_wait3A_315 : memref<1x80xi32, #tpu.memory_space<vmem>> -> memref<80xi32, #tpu.memory_space<vmem>>
      %dma_wait3A_317 = arith.constant 0 : i32
      %dma_wait3A_318 = tpu.memref_slice %arg5[%dma_wait3A_317] : memref<1600000xf32, #tpu.memory_space<hbm>> -> memref<1600000xf32, #tpu.memory_space<hbm>>
      tpu.wait_indirect_dma semaphore(%arg16 : memref<!tpu.dma_semaphore, #tpu.memory_space<semaphore_mem>>) src(%dma_wait3A_318 : memref<1600000xf32, #tpu.memory_space<hbm>>) dst(%dma_wait3A_313 : memref<80xf32, #tpu.memory_space<vmem>>)
      %dma_wait3A_319 = arith.constant 5 : i32
      %dma_wait3A_320 = arith.constant 5 : i32
      %dma_wait3A_321 = arith.constant 0 : i32
      %dma_wait3A_322 = tpu.memref_slice %arg13[%dma_wait3A_320, %dma_wait3A_321] : memref<25x80xf32, #tpu.memory_space<vmem>> -> memref<1x80xf32, #tpu.memory_space<vmem>>
      %dma_wait3A_323 = tpu.memref_squeeze %dma_wait3A_322 : memref<1x80xf32, #tpu.memory_space<vmem>> -> memref<80xf32, #tpu.memory_space<vmem>>
      %dma_wait3A_324 = arith.constant 0 : i32
      %dma_wait3A_325 = tpu.memref_slice %arg12[%dma_wait3A_319, %dma_wait3A_324] : memref<25x80xi32, #tpu.memory_space<vmem>> -> memref<1x80xi32, #tpu.memory_space<vmem>>
      %dma_wait3A_326 = tpu.memref_squeeze %dma_wait3A_325 : memref<1x80xi32, #tpu.memory_space<vmem>> -> memref<80xi32, #tpu.memory_space<vmem>>
      %dma_wait3A_327 = arith.constant 0 : i32
      %dma_wait3A_328 = tpu.memref_slice %arg5[%dma_wait3A_327] : memref<1600000xf32, #tpu.memory_space<hbm>> -> memref<1600000xf32, #tpu.memory_space<hbm>>
      tpu.wait_indirect_dma semaphore(%arg16 : memref<!tpu.dma_semaphore, #tpu.memory_space<semaphore_mem>>) src(%dma_wait3A_328 : memref<1600000xf32, #tpu.memory_space<hbm>>) dst(%dma_wait3A_323 : memref<80xf32, #tpu.memory_space<vmem>>)
      %dma_wait3A_329 = arith.constant 6 : i32
      %dma_wait3A_330 = arith.constant 6 : i32
      %dma_wait3A_331 = arith.constant 0 : i32
      %dma_wait3A_332 = tpu.memref_slice %arg13[%dma_wait3A_330, %dma_wait3A_331] : memref<25x80xf32, #tpu.memory_space<vmem>> -> memref<1x80xf32, #tpu.memory_space<vmem>>
      %dma_wait3A_333 = tpu.memref_squeeze %dma_wait3A_332 : memref<1x80xf32, #tpu.memory_space<vmem>> -> memref<80xf32, #tpu.memory_space<vmem>>
      %dma_wait3A_334 = arith.constant 0 : i32
      %dma_wait3A_335 = tpu.memref_slice %arg12[%dma_wait3A_329, %dma_wait3A_334] : memref<25x80xi32, #tpu.memory_space<vmem>> -> memref<1x80xi32, #tpu.memory_space<vmem>>
      %dma_wait3A_336 = tpu.memref_squeeze %dma_wait3A_335 : memref<1x80xi32, #tpu.memory_space<vmem>> -> memref<80xi32, #tpu.memory_space<vmem>>
      %dma_wait3A_337 = arith.constant 0 : i32
      %dma_wait3A_338 = tpu.memref_slice %arg5[%dma_wait3A_337] : memref<1600000xf32, #tpu.memory_space<hbm>> -> memref<1600000xf32, #tpu.memory_space<hbm>>
      tpu.wait_indirect_dma semaphore(%arg16 : memref<!tpu.dma_semaphore, #tpu.memory_space<semaphore_mem>>) src(%dma_wait3A_338 : memref<1600000xf32, #tpu.memory_space<hbm>>) dst(%dma_wait3A_333 : memref<80xf32, #tpu.memory_space<vmem>>)
      %dma_wait3A_339 = arith.constant 7 : i32
      %dma_wait3A_340 = arith.constant 7 : i32
      %dma_wait3A_341 = arith.constant 0 : i32
      %dma_wait3A_342 = tpu.memref_slice %arg13[%dma_wait3A_340, %dma_wait3A_341] : memref<25x80xf32, #tpu.memory_space<vmem>> -> memref<1x80xf32, #tpu.memory_space<vmem>>
      %dma_wait3A_343 = tpu.memref_squeeze %dma_wait3A_342 : memref<1x80xf32, #tpu.memory_space<vmem>> -> memref<80xf32, #tpu.memory_space<vmem>>
      %dma_wait3A_344 = arith.constant 0 : i32
      %dma_wait3A_345 = tpu.memref_slice %arg12[%dma_wait3A_339, %dma_wait3A_344] : memref<25x80xi32, #tpu.memory_space<vmem>> -> memref<1x80xi32, #tpu.memory_space<vmem>>
      %dma_wait3A_346 = tpu.memref_squeeze %dma_wait3A_345 : memref<1x80xi32, #tpu.memory_space<vmem>> -> memref<80xi32, #tpu.memory_space<vmem>>
      %dma_wait3A_347 = arith.constant 0 : i32
      %dma_wait3A_348 = tpu.memref_slice %arg5[%dma_wait3A_347] : memref<1600000xf32, #tpu.memory_space<hbm>> -> memref<1600000xf32, #tpu.memory_space<hbm>>
      tpu.wait_indirect_dma semaphore(%arg16 : memref<!tpu.dma_semaphore, #tpu.memory_space<semaphore_mem>>) src(%dma_wait3A_348 : memref<1600000xf32, #tpu.memory_space<hbm>>) dst(%dma_wait3A_343 : memref<80xf32, #tpu.memory_space<vmem>>)
      %dma_wait3A_349 = arith.constant 8 : i32
      %dma_wait3A_350 = arith.constant 8 : i32
      %dma_wait3A_351 = arith.constant 0 : i32
      %dma_wait3A_352 = tpu.memref_slice %arg13[%dma_wait3A_350, %dma_wait3A_351] : memref<25x80xf32, #tpu.memory_space<vmem>> -> memref<1x80xf32, #tpu.memory_space<vmem>>
      %dma_wait3A_353 = tpu.memref_squeeze %dma_wait3A_352 : memref<1x80xf32, #tpu.memory_space<vmem>> -> memref<80xf32, #tpu.memory_space<vmem>>
      %dma_wait3A_354 = arith.constant 0 : i32
      %dma_wait3A_355 = tpu.memref_slice %arg12[%dma_wait3A_349, %dma_wait3A_354] : memref<25x80xi32, #tpu.memory_space<vmem>> -> memref<1x80xi32, #tpu.memory_space<vmem>>
      %dma_wait3A_356 = tpu.memref_squeeze %dma_wait3A_355 : memref<1x80xi32, #tpu.memory_space<vmem>> -> memref<80xi32, #tpu.memory_space<vmem>>
      %dma_wait3A_357 = arith.constant 0 : i32
      %dma_wait3A_358 = tpu.memref_slice %arg5[%dma_wait3A_357] : memref<1600000xf32, #tpu.memory_space<hbm>> -> memref<1600000xf32, #tpu.memory_space<hbm>>
      tpu.wait_indirect_dma semaphore(%arg16 : memref<!tpu.dma_semaphore, #tpu.memory_space<semaphore_mem>>) src(%dma_wait3A_358 : memref<1600000xf32, #tpu.memory_space<hbm>>) dst(%dma_wait3A_353 : memref<80xf32, #tpu.memory_space<vmem>>)
      %dma_wait3A_359 = arith.constant 9 : i32
      %dma_wait3A_360 = arith.constant 9 : i32
      %dma_wait3A_361 = arith.constant 0 : i32
      %dma_wait3A_362 = tpu.memref_slice %arg13[%dma_wait3A_360, %dma_wait3A_361] : memref<25x80xf32, #tpu.memory_space<vmem>> -> memref<1x80xf32, #tpu.memory_space<vmem>>
      %dma_wait3A_363 = tpu.memref_squeeze %dma_wait3A_362 : memref<1x80xf32, #tpu.memory_space<vmem>> -> memref<80xf32, #tpu.memory_space<vmem>>
      %dma_wait3A_364 = arith.constant 0 : i32
      %dma_wait3A_365 = tpu.memref_slice %arg12[%dma_wait3A_359, %dma_wait3A_364] : memref<25x80xi32, #tpu.memory_space<vmem>> -> memref<1x80xi32, #tpu.memory_space<vmem>>
      %dma_wait3A_366 = tpu.memref_squeeze %dma_wait3A_365 : memref<1x80xi32, #tpu.memory_space<vmem>> -> memref<80xi32, #tpu.memory_space<vmem>>
      %dma_wait3A_367 = arith.constant 0 : i32
      %dma_wait3A_368 = tpu.memref_slice %arg5[%dma_wait3A_367] : memref<1600000xf32, #tpu.memory_space<hbm>> -> memref<1600000xf32, #tpu.memory_space<hbm>>
      tpu.wait_indirect_dma semaphore(%arg16 : memref<!tpu.dma_semaphore, #tpu.memory_space<semaphore_mem>>) src(%dma_wait3A_368 : memref<1600000xf32, #tpu.memory_space<hbm>>) dst(%dma_wait3A_363 : memref<80xf32, #tpu.memory_space<vmem>>)
      %dma_wait3A_369 = arith.constant 10 : i32
      %dma_wait3A_370 = arith.constant 10 : i32
      %dma_wait3A_371 = arith.constant 0 : i32
      %dma_wait3A_372 = tpu.memref_slice %arg13[%dma_wait3A_370, %dma_wait3A_371] : memref<25x80xf32, #tpu.memory_space<vmem>> -> memref<1x80xf32, #tpu.memory_space<vmem>>
      %dma_wait3A_373 = tpu.memref_squeeze %dma_wait3A_372 : memref<1x80xf32, #tpu.memory_space<vmem>> -> memref<80xf32, #tpu.memory_space<vmem>>
      %dma_wait3A_374 = arith.constant 0 : i32
      %dma_wait3A_375 = tpu.memref_slice %arg12[%dma_wait3A_369, %dma_wait3A_374] : memref<25x80xi32, #tpu.memory_space<vmem>> -> memref<1x80xi32, #tpu.memory_space<vmem>>
      %dma_wait3A_376 = tpu.memref_squeeze %dma_wait3A_375 : memref<1x80xi32, #tpu.memory_space<vmem>> -> memref<80xi32, #tpu.memory_space<vmem>>
      %dma_wait3A_377 = arith.constant 0 : i32
      %dma_wait3A_378 = tpu.memref_slice %arg5[%dma_wait3A_377] : memref<1600000xf32, #tpu.memory_space<hbm>> -> memref<1600000xf32, #tpu.memory_space<hbm>>
      tpu.wait_indirect_dma semaphore(%arg16 : memref<!tpu.dma_semaphore, #tpu.memory_space<semaphore_mem>>) src(%dma_wait3A_378 : memref<1600000xf32, #tpu.memory_space<hbm>>) dst(%dma_wait3A_373 : memref<80xf32, #tpu.memory_space<vmem>>)
      %dma_wait3A_379 = arith.constant 11 : i32
      %dma_wait3A_380 = arith.constant 11 : i32
      %dma_wait3A_381 = arith.constant 0 : i32
      %dma_wait3A_382 = tpu.memref_slice %arg13[%dma_wait3A_380, %dma_wait3A_381] : memref<25x80xf32, #tpu.memory_space<vmem>> -> memref<1x80xf32, #tpu.memory_space<vmem>>
      %dma_wait3A_383 = tpu.memref_squeeze %dma_wait3A_382 : memref<1x80xf32, #tpu.memory_space<vmem>> -> memref<80xf32, #tpu.memory_space<vmem>>
      %dma_wait3A_384 = arith.constant 0 : i32
      %dma_wait3A_385 = tpu.memref_slice %arg12[%dma_wait3A_379, %dma_wait3A_384] : memref<25x80xi32, #tpu.memory_space<vmem>> -> memref<1x80xi32, #tpu.memory_space<vmem>>
      %dma_wait3A_386 = tpu.memref_squeeze %dma_wait3A_385 : memref<1x80xi32, #tpu.memory_space<vmem>> -> memref<80xi32, #tpu.memory_space<vmem>>
      %dma_wait3A_387 = arith.constant 0 : i32
      %dma_wait3A_388 = tpu.memref_slice %arg5[%dma_wait3A_387] : memref<1600000xf32, #tpu.memory_space<hbm>> -> memref<1600000xf32, #tpu.memory_space<hbm>>
      tpu.wait_indirect_dma semaphore(%arg16 : memref<!tpu.dma_semaphore, #tpu.memory_space<semaphore_mem>>) src(%dma_wait3A_388 : memref<1600000xf32, #tpu.memory_space<hbm>>) dst(%dma_wait3A_383 : memref<80xf32, #tpu.memory_space<vmem>>)
      %dma_wait3A_389 = arith.constant 12 : i32
      %dma_wait3A_390 = arith.constant 12 : i32
      %dma_wait3A_391 = arith.constant 0 : i32
      %dma_wait3A_392 = tpu.memref_slice %arg13[%dma_wait3A_390, %dma_wait3A_391] : memref<25x80xf32, #tpu.memory_space<vmem>> -> memref<1x80xf32, #tpu.memory_space<vmem>>
      %dma_wait3A_393 = tpu.memref_squeeze %dma_wait3A_392 : memref<1x80xf32, #tpu.memory_space<vmem>> -> memref<80xf32, #tpu.memory_space<vmem>>
      %dma_wait3A_394 = arith.constant 0 : i32
      %dma_wait3A_395 = tpu.memref_slice %arg12[%dma_wait3A_389, %dma_wait3A_394] : memref<25x80xi32, #tpu.memory_space<vmem>> -> memref<1x80xi32, #tpu.memory_space<vmem>>
      %dma_wait3A_396 = tpu.memref_squeeze %dma_wait3A_395 : memref<1x80xi32, #tpu.memory_space<vmem>> -> memref<80xi32, #tpu.memory_space<vmem>>
      %dma_wait3A_397 = arith.constant 0 : i32
      %dma_wait3A_398 = tpu.memref_slice %arg5[%dma_wait3A_397] : memref<1600000xf32, #tpu.memory_space<hbm>> -> memref<1600000xf32, #tpu.memory_space<hbm>>
      tpu.wait_indirect_dma semaphore(%arg16 : memref<!tpu.dma_semaphore, #tpu.memory_space<semaphore_mem>>) src(%dma_wait3A_398 : memref<1600000xf32, #tpu.memory_space<hbm>>) dst(%dma_wait3A_393 : memref<80xf32, #tpu.memory_space<vmem>>)
      %dma_wait3A_399 = arith.constant 13 : i32
      %dma_wait3A_400 = arith.constant 13 : i32
      %dma_wait3A_401 = arith.constant 0 : i32
      %dma_wait3A_402 = tpu.memref_slice %arg13[%dma_wait3A_400, %dma_wait3A_401] : memref<25x80xf32, #tpu.memory_space<vmem>> -> memref<1x80xf32, #tpu.memory_space<vmem>>
      %dma_wait3A_403 = tpu.memref_squeeze %dma_wait3A_402 : memref<1x80xf32, #tpu.memory_space<vmem>> -> memref<80xf32, #tpu.memory_space<vmem>>
      %dma_wait3A_404 = arith.constant 0 : i32
      %dma_wait3A_405 = tpu.memref_slice %arg12[%dma_wait3A_399, %dma_wait3A_404] : memref<25x80xi32, #tpu.memory_space<vmem>> -> memref<1x80xi32, #tpu.memory_space<vmem>>
      %dma_wait3A_406 = tpu.memref_squeeze %dma_wait3A_405 : memref<1x80xi32, #tpu.memory_space<vmem>> -> memref<80xi32, #tpu.memory_space<vmem>>
      %dma_wait3A_407 = arith.constant 0 : i32
      %dma_wait3A_408 = tpu.memref_slice %arg5[%dma_wait3A_407] : memref<1600000xf32, #tpu.memory_space<hbm>> -> memref<1600000xf32, #tpu.memory_space<hbm>>
      tpu.wait_indirect_dma semaphore(%arg16 : memref<!tpu.dma_semaphore, #tpu.memory_space<semaphore_mem>>) src(%dma_wait3A_408 : memref<1600000xf32, #tpu.memory_space<hbm>>) dst(%dma_wait3A_403 : memref<80xf32, #tpu.memory_space<vmem>>)
      %dma_wait3A_409 = arith.constant 14 : i32
      %dma_wait3A_410 = arith.constant 14 : i32
      %dma_wait3A_411 = arith.constant 0 : i32
      %dma_wait3A_412 = tpu.memref_slice %arg13[%dma_wait3A_410, %dma_wait3A_411] : memref<25x80xf32, #tpu.memory_space<vmem>> -> memref<1x80xf32, #tpu.memory_space<vmem>>
      %dma_wait3A_413 = tpu.memref_squeeze %dma_wait3A_412 : memref<1x80xf32, #tpu.memory_space<vmem>> -> memref<80xf32, #tpu.memory_space<vmem>>
      %dma_wait3A_414 = arith.constant 0 : i32
      %dma_wait3A_415 = tpu.memref_slice %arg12[%dma_wait3A_409, %dma_wait3A_414] : memref<25x80xi32, #tpu.memory_space<vmem>> -> memref<1x80xi32, #tpu.memory_space<vmem>>
      %dma_wait3A_416 = tpu.memref_squeeze %dma_wait3A_415 : memref<1x80xi32, #tpu.memory_space<vmem>> -> memref<80xi32, #tpu.memory_space<vmem>>
      %dma_wait3A_417 = arith.constant 0 : i32
      %dma_wait3A_418 = tpu.memref_slice %arg5[%dma_wait3A_417] : memref<1600000xf32, #tpu.memory_space<hbm>> -> memref<1600000xf32, #tpu.memory_space<hbm>>
      tpu.wait_indirect_dma semaphore(%arg16 : memref<!tpu.dma_semaphore, #tpu.memory_space<semaphore_mem>>) src(%dma_wait3A_418 : memref<1600000xf32, #tpu.memory_space<hbm>>) dst(%dma_wait3A_413 : memref<80xf32, #tpu.memory_space<vmem>>)
      %dma_wait3A_419 = arith.constant 15 : i32
      %dma_wait3A_420 = arith.constant 15 : i32
      %dma_wait3A_421 = arith.constant 0 : i32
      %dma_wait3A_422 = tpu.memref_slice %arg13[%dma_wait3A_420, %dma_wait3A_421] : memref<25x80xf32, #tpu.memory_space<vmem>> -> memref<1x80xf32, #tpu.memory_space<vmem>>
      %dma_wait3A_423 = tpu.memref_squeeze %dma_wait3A_422 : memref<1x80xf32, #tpu.memory_space<vmem>> -> memref<80xf32, #tpu.memory_space<vmem>>
      %dma_wait3A_424 = arith.constant 0 : i32
      %dma_wait3A_425 = tpu.memref_slice %arg12[%dma_wait3A_419, %dma_wait3A_424] : memref<25x80xi32, #tpu.memory_space<vmem>> -> memref<1x80xi32, #tpu.memory_space<vmem>>
      %dma_wait3A_426 = tpu.memref_squeeze %dma_wait3A_425 : memref<1x80xi32, #tpu.memory_space<vmem>> -> memref<80xi32, #tpu.memory_space<vmem>>
      %dma_wait3A_427 = arith.constant 0 : i32
      %dma_wait3A_428 = tpu.memref_slice %arg5[%dma_wait3A_427] : memref<1600000xf32, #tpu.memory_space<hbm>> -> memref<1600000xf32, #tpu.memory_space<hbm>>
      tpu.wait_indirect_dma semaphore(%arg16 : memref<!tpu.dma_semaphore, #tpu.memory_space<semaphore_mem>>) src(%dma_wait3A_428 : memref<1600000xf32, #tpu.memory_space<hbm>>) dst(%dma_wait3A_423 : memref<80xf32, #tpu.memory_space<vmem>>)
      %dma_wait3A_429 = arith.constant 16 : i32
      %dma_wait3A_430 = arith.constant 16 : i32
      %dma_wait3A_431 = arith.constant 0 : i32
      %dma_wait3A_432 = tpu.memref_slice %arg13[%dma_wait3A_430, %dma_wait3A_431] : memref<25x80xf32, #tpu.memory_space<vmem>> -> memref<1x80xf32, #tpu.memory_space<vmem>>
      %dma_wait3A_433 = tpu.memref_squeeze %dma_wait3A_432 : memref<1x80xf32, #tpu.memory_space<vmem>> -> memref<80xf32, #tpu.memory_space<vmem>>
      %dma_wait3A_434 = arith.constant 0 : i32
      %dma_wait3A_435 = tpu.memref_slice %arg12[%dma_wait3A_429, %dma_wait3A_434] : memref<25x80xi32, #tpu.memory_space<vmem>> -> memref<1x80xi32, #tpu.memory_space<vmem>>
      %dma_wait3A_436 = tpu.memref_squeeze %dma_wait3A_435 : memref<1x80xi32, #tpu.memory_space<vmem>> -> memref<80xi32, #tpu.memory_space<vmem>>
      %dma_wait3A_437 = arith.constant 0 : i32
      %dma_wait3A_438 = tpu.memref_slice %arg5[%dma_wait3A_437] : memref<1600000xf32, #tpu.memory_space<hbm>> -> memref<1600000xf32, #tpu.memory_space<hbm>>
      tpu.wait_indirect_dma semaphore(%arg16 : memref<!tpu.dma_semaphore, #tpu.memory_space<semaphore_mem>>) src(%dma_wait3A_438 : memref<1600000xf32, #tpu.memory_space<hbm>>) dst(%dma_wait3A_433 : memref<80xf32, #tpu.memory_space<vmem>>)
      %dma_wait3A_439 = arith.constant 17 : i32
      %dma_wait3A_440 = arith.constant 17 : i32
      %dma_wait3A_441 = arith.constant 0 : i32
      %dma_wait3A_442 = tpu.memref_slice %arg13[%dma_wait3A_440, %dma_wait3A_441] : memref<25x80xf32, #tpu.memory_space<vmem>> -> memref<1x80xf32, #tpu.memory_space<vmem>>
      %dma_wait3A_443 = tpu.memref_squeeze %dma_wait3A_442 : memref<1x80xf32, #tpu.memory_space<vmem>> -> memref<80xf32, #tpu.memory_space<vmem>>
      %dma_wait3A_444 = arith.constant 0 : i32
      %dma_wait3A_445 = tpu.memref_slice %arg12[%dma_wait3A_439, %dma_wait3A_444] : memref<25x80xi32, #tpu.memory_space<vmem>> -> memref<1x80xi32, #tpu.memory_space<vmem>>
      %dma_wait3A_446 = tpu.memref_squeeze %dma_wait3A_445 : memref<1x80xi32, #tpu.memory_space<vmem>> -> memref<80xi32, #tpu.memory_space<vmem>>
      %dma_wait3A_447 = arith.constant 0 : i32
      %dma_wait3A_448 = tpu.memref_slice %arg5[%dma_wait3A_447] : memref<1600000xf32, #tpu.memory_space<hbm>> -> memref<1600000xf32, #tpu.memory_space<hbm>>
      tpu.wait_indirect_dma semaphore(%arg16 : memref<!tpu.dma_semaphore, #tpu.memory_space<semaphore_mem>>) src(%dma_wait3A_448 : memref<1600000xf32, #tpu.memory_space<hbm>>) dst(%dma_wait3A_443 : memref<80xf32, #tpu.memory_space<vmem>>)
      %dma_wait3A_449 = arith.constant 18 : i32
      %dma_wait3A_450 = arith.constant 18 : i32
      %dma_wait3A_451 = arith.constant 0 : i32
      %dma_wait3A_452 = tpu.memref_slice %arg13[%dma_wait3A_450, %dma_wait3A_451] : memref<25x80xf32, #tpu.memory_space<vmem>> -> memref<1x80xf32, #tpu.memory_space<vmem>>
      %dma_wait3A_453 = tpu.memref_squeeze %dma_wait3A_452 : memref<1x80xf32, #tpu.memory_space<vmem>> -> memref<80xf32, #tpu.memory_space<vmem>>
      %dma_wait3A_454 = arith.constant 0 : i32
      %dma_wait3A_455 = tpu.memref_slice %arg12[%dma_wait3A_449, %dma_wait3A_454] : memref<25x80xi32, #tpu.memory_space<vmem>> -> memref<1x80xi32, #tpu.memory_space<vmem>>
      %dma_wait3A_456 = tpu.memref_squeeze %dma_wait3A_455 : memref<1x80xi32, #tpu.memory_space<vmem>> -> memref<80xi32, #tpu.memory_space<vmem>>
      %dma_wait3A_457 = arith.constant 0 : i32
      %dma_wait3A_458 = tpu.memref_slice %arg5[%dma_wait3A_457] : memref<1600000xf32, #tpu.memory_space<hbm>> -> memref<1600000xf32, #tpu.memory_space<hbm>>
      tpu.wait_indirect_dma semaphore(%arg16 : memref<!tpu.dma_semaphore, #tpu.memory_space<semaphore_mem>>) src(%dma_wait3A_458 : memref<1600000xf32, #tpu.memory_space<hbm>>) dst(%dma_wait3A_453 : memref<80xf32, #tpu.memory_space<vmem>>)
      %dma_wait3A_459 = arith.constant 19 : i32
      %dma_wait3A_460 = arith.constant 19 : i32
      %dma_wait3A_461 = arith.constant 0 : i32
      %dma_wait3A_462 = tpu.memref_slice %arg13[%dma_wait3A_460, %dma_wait3A_461] : memref<25x80xf32, #tpu.memory_space<vmem>> -> memref<1x80xf32, #tpu.memory_space<vmem>>
      %dma_wait3A_463 = tpu.memref_squeeze %dma_wait3A_462 : memref<1x80xf32, #tpu.memory_space<vmem>> -> memref<80xf32, #tpu.memory_space<vmem>>
      %dma_wait3A_464 = arith.constant 0 : i32
      %dma_wait3A_465 = tpu.memref_slice %arg12[%dma_wait3A_459, %dma_wait3A_464] : memref<25x80xi32, #tpu.memory_space<vmem>> -> memref<1x80xi32, #tpu.memory_space<vmem>>
      %dma_wait3A_466 = tpu.memref_squeeze %dma_wait3A_465 : memref<1x80xi32, #tpu.memory_space<vmem>> -> memref<80xi32, #tpu.memory_space<vmem>>
      %dma_wait3A_467 = arith.constant 0 : i32
      %dma_wait3A_468 = tpu.memref_slice %arg5[%dma_wait3A_467] : memref<1600000xf32, #tpu.memory_space<hbm>> -> memref<1600000xf32, #tpu.memory_space<hbm>>
      tpu.wait_indirect_dma semaphore(%arg16 : memref<!tpu.dma_semaphore, #tpu.memory_space<semaphore_mem>>) src(%dma_wait3A_468 : memref<1600000xf32, #tpu.memory_space<hbm>>) dst(%dma_wait3A_463 : memref<80xf32, #tpu.memory_space<vmem>>)
      %dma_wait3A_469 = arith.constant 20 : i32
      %dma_wait3A_470 = arith.constant 20 : i32
      %dma_wait3A_471 = arith.constant 0 : i32
      %dma_wait3A_472 = tpu.memref_slice %arg13[%dma_wait3A_470, %dma_wait3A_471] : memref<25x80xf32, #tpu.memory_space<vmem>> -> memref<1x80xf32, #tpu.memory_space<vmem>>
      %dma_wait3A_473 = tpu.memref_squeeze %dma_wait3A_472 : memref<1x80xf32, #tpu.memory_space<vmem>> -> memref<80xf32, #tpu.memory_space<vmem>>
      %dma_wait3A_474 = arith.constant 0 : i32
      %dma_wait3A_475 = tpu.memref_slice %arg12[%dma_wait3A_469, %dma_wait3A_474] : memref<25x80xi32, #tpu.memory_space<vmem>> -> memref<1x80xi32, #tpu.memory_space<vmem>>
      %dma_wait3A_476 = tpu.memref_squeeze %dma_wait3A_475 : memref<1x80xi32, #tpu.memory_space<vmem>> -> memref<80xi32, #tpu.memory_space<vmem>>
      %dma_wait3A_477 = arith.constant 0 : i32
      %dma_wait3A_478 = tpu.memref_slice %arg5[%dma_wait3A_477] : memref<1600000xf32, #tpu.memory_space<hbm>> -> memref<1600000xf32, #tpu.memory_space<hbm>>
      tpu.wait_indirect_dma semaphore(%arg16 : memref<!tpu.dma_semaphore, #tpu.memory_space<semaphore_mem>>) src(%dma_wait3A_478 : memref<1600000xf32, #tpu.memory_space<hbm>>) dst(%dma_wait3A_473 : memref<80xf32, #tpu.memory_space<vmem>>)
      %dma_wait3A_479 = arith.constant 21 : i32
      %dma_wait3A_480 = arith.constant 21 : i32
      %dma_wait3A_481 = arith.constant 0 : i32
      %dma_wait3A_482 = tpu.memref_slice %arg13[%dma_wait3A_480, %dma_wait3A_481] : memref<25x80xf32, #tpu.memory_space<vmem>> -> memref<1x80xf32, #tpu.memory_space<vmem>>
      %dma_wait3A_483 = tpu.memref_squeeze %dma_wait3A_482 : memref<1x80xf32, #tpu.memory_space<vmem>> -> memref<80xf32, #tpu.memory_space<vmem>>
      %dma_wait3A_484 = arith.constant 0 : i32
      %dma_wait3A_485 = tpu.memref_slice %arg12[%dma_wait3A_479, %dma_wait3A_484] : memref<25x80xi32, #tpu.memory_space<vmem>> -> memref<1x80xi32, #tpu.memory_space<vmem>>
      %dma_wait3A_486 = tpu.memref_squeeze %dma_wait3A_485 : memref<1x80xi32, #tpu.memory_space<vmem>> -> memref<80xi32, #tpu.memory_space<vmem>>
      %dma_wait3A_487 = arith.constant 0 : i32
      %dma_wait3A_488 = tpu.memref_slice %arg5[%dma_wait3A_487] : memref<1600000xf32, #tpu.memory_space<hbm>> -> memref<1600000xf32, #tpu.memory_space<hbm>>
      tpu.wait_indirect_dma semaphore(%arg16 : memref<!tpu.dma_semaphore, #tpu.memory_space<semaphore_mem>>) src(%dma_wait3A_488 : memref<1600000xf32, #tpu.memory_space<hbm>>) dst(%dma_wait3A_483 : memref<80xf32, #tpu.memory_space<vmem>>)
      %dma_wait3A_489 = arith.constant 22 : i32
      %dma_wait3A_490 = arith.constant 22 : i32
      %dma_wait3A_491 = arith.constant 0 : i32
      %dma_wait3A_492 = tpu.memref_slice %arg13[%dma_wait3A_490, %dma_wait3A_491] : memref<25x80xf32, #tpu.memory_space<vmem>> -> memref<1x80xf32, #tpu.memory_space<vmem>>
      %dma_wait3A_493 = tpu.memref_squeeze %dma_wait3A_492 : memref<1x80xf32, #tpu.memory_space<vmem>> -> memref<80xf32, #tpu.memory_space<vmem>>
      %dma_wait3A_494 = arith.constant 0 : i32
      %dma_wait3A_495 = tpu.memref_slice %arg12[%dma_wait3A_489, %dma_wait3A_494] : memref<25x80xi32, #tpu.memory_space<vmem>> -> memref<1x80xi32, #tpu.memory_space<vmem>>
      %dma_wait3A_496 = tpu.memref_squeeze %dma_wait3A_495 : memref<1x80xi32, #tpu.memory_space<vmem>> -> memref<80xi32, #tpu.memory_space<vmem>>
      %dma_wait3A_497 = arith.constant 0 : i32
      %dma_wait3A_498 = tpu.memref_slice %arg5[%dma_wait3A_497] : memref<1600000xf32, #tpu.memory_space<hbm>> -> memref<1600000xf32, #tpu.memory_space<hbm>>
      tpu.wait_indirect_dma semaphore(%arg16 : memref<!tpu.dma_semaphore, #tpu.memory_space<semaphore_mem>>) src(%dma_wait3A_498 : memref<1600000xf32, #tpu.memory_space<hbm>>) dst(%dma_wait3A_493 : memref<80xf32, #tpu.memory_space<vmem>>)
      %dma_wait3A_499 = arith.constant 23 : i32
      %dma_wait3A_500 = arith.constant 23 : i32
      %dma_wait3A_501 = arith.constant 0 : i32
      %dma_wait3A_502 = tpu.memref_slice %arg13[%dma_wait3A_500, %dma_wait3A_501] : memref<25x80xf32, #tpu.memory_space<vmem>> -> memref<1x80xf32, #tpu.memory_space<vmem>>
      %dma_wait3A_503 = tpu.memref_squeeze %dma_wait3A_502 : memref<1x80xf32, #tpu.memory_space<vmem>> -> memref<80xf32, #tpu.memory_space<vmem>>
      %dma_wait3A_504 = arith.constant 0 : i32
      %dma_wait3A_505 = tpu.memref_slice %arg12[%dma_wait3A_499, %dma_wait3A_504] : memref<25x80xi32, #tpu.memory_space<vmem>> -> memref<1x80xi32, #tpu.memory_space<vmem>>
      %dma_wait3A_506 = tpu.memref_squeeze %dma_wait3A_505 : memref<1x80xi32, #tpu.memory_space<vmem>> -> memref<80xi32, #tpu.memory_space<vmem>>
      %dma_wait3A_507 = arith.constant 0 : i32
      %dma_wait3A_508 = tpu.memref_slice %arg5[%dma_wait3A_507] : memref<1600000xf32, #tpu.memory_space<hbm>> -> memref<1600000xf32, #tpu.memory_space<hbm>>
      tpu.wait_indirect_dma semaphore(%arg16 : memref<!tpu.dma_semaphore, #tpu.memory_space<semaphore_mem>>) src(%dma_wait3A_508 : memref<1600000xf32, #tpu.memory_space<hbm>>) dst(%dma_wait3A_503 : memref<80xf32, #tpu.memory_space<vmem>>)
      %dma_wait3A_509 = arith.constant 24 : i32
      %dma_wait3A_510 = arith.constant 24 : i32
      %dma_wait3A_511 = arith.constant 0 : i32
      %dma_wait3A_512 = tpu.memref_slice %arg13[%dma_wait3A_510, %dma_wait3A_511] : memref<25x80xf32, #tpu.memory_space<vmem>> -> memref<1x80xf32, #tpu.memory_space<vmem>>
      %dma_wait3A_513 = tpu.memref_squeeze %dma_wait3A_512 : memref<1x80xf32, #tpu.memory_space<vmem>> -> memref<80xf32, #tpu.memory_space<vmem>>
      %dma_wait3A_514 = arith.constant 0 : i32
      %dma_wait3A_515 = tpu.memref_slice %arg12[%dma_wait3A_509, %dma_wait3A_514] : memref<25x80xi32, #tpu.memory_space<vmem>> -> memref<1x80xi32, #tpu.memory_space<vmem>>
      %dma_wait3A_516 = tpu.memref_squeeze %dma_wait3A_515 : memref<1x80xi32, #tpu.memory_space<vmem>> -> memref<80xi32, #tpu.memory_space<vmem>>
      %dma_wait3A_517 = arith.constant 0 : i32
      %dma_wait3A_518 = tpu.memref_slice %arg5[%dma_wait3A_517] : memref<1600000xf32, #tpu.memory_space<hbm>> -> memref<1600000xf32, #tpu.memory_space<hbm>>
      tpu.wait_indirect_dma semaphore(%arg16 : memref<!tpu.dma_semaphore, #tpu.memory_space<semaphore_mem>>) src(%dma_wait3A_518 : memref<1600000xf32, #tpu.memory_space<hbm>>) dst(%dma_wait3A_513 : memref<80xf32, #tpu.memory_space<vmem>>)
      %scan3A_519 = arith.constant 0 : i32
      %scan3A_520 = arith.constant 0 : i32
      %scan3A_521 = arith.constant 125 : i32
      %scan3A_522 = arith.addi %scan3A_520, %scan3A_521 : i32
      %scan3A_523 = arith.constant 1 : i32
      %scan3A_524 = scf.for %scan3A_527 = %scan3A_520 to %scan3A_522 step %scan3A_523 iter_args(%scan3A_528 = %scan3A_519) -> (i32)  : i32 {
        %mul3A_529 = arith.constant 16 : i32
        %mul3A_530 = arith.muli %scan3A_527, %mul3A_529 : i32
        %get3A = arith.index_cast %mul3A_530 : i32 to index
        %get3A_531 = tpu.vector_load %arg14[%get3A] {strides = array<i32>} : memref<2000xf32, #tpu.memory_space<vmem>>, vector<16xf32>,
        %jit3A = arith.constant 5 : i32
        %div3A = arith.divsi %scan3A_527, %jit3A : i32
        %sign3A = arith.constant 0 : i32
        %sign3A_532 = arith.cmpi sgt, %scan3A_527, %sign3A : i32
        %sign3A_533 = arith.extui %sign3A_532 : i1 to i32
        %sign3A_534 = arith.constant 0 : i32
        %sign3A_535 = arith.cmpi slt, %scan3A_527, %sign3A_534 : i32
        %sign3A_536 = arith.extui %sign3A_535 : i1 to i32
        %sign3A_537 = arith.subi %sign3A_533, %sign3A_536 : i32
        %sign3A_538 = arith.constant 0 : i32
        %sign3A_539 = arith.cmpi sgt, %jit3A, %sign3A_538 : i32
        %sign3A_540 = arith.extui %sign3A_539 : i1 to i32
        %sign3A_541 = arith.constant 0 : i32
        %sign3A_542 = arith.cmpi slt, %jit3A, %sign3A_541 : i32
        %sign3A_543 = arith.extui %sign3A_542 : i1 to i32
        %sign3A_544 = arith.subi %sign3A_540, %sign3A_543 : i32
        %ne3A = arith.cmpi ne, %sign3A_537, %sign3A_544 : i32
        %rem3A = arith.remsi %scan3A_527, %jit3A : i32
        %ne3A_545 = arith.constant 0 : i32
        %ne3A_546 = arith.cmpi ne, %rem3A, %ne3A_545 : i32
        %and3A = arith.andi %ne3A, %ne3A_546 : i1
        %sub3A = arith.constant 1 : i32
        %sub3A_547 = arith.subi %div3A, %sub3A : i32
        %select_n3A = arith.select %and3A, %sub3A_547, %div3A : i32
        %jit3A_548 = arith.constant 5 : i32
        %eq3A = arith.constant 0 : i32
        %eq3A_549 = arith.cmpi eq, %jit3A_548, %eq3A : i32
        %jit3A_550 = arith.constant 1 : i32
        %select_n3A_551 = arith.select %eq3A_549, %jit3A_550, %jit3A_548 : i32
        %rem3A_552 = arith.remsi %scan3A_527, %select_n3A_551 : i32
        %ne3A_553 = arith.constant 0 : i32
        %ne3A_554 = arith.cmpi ne, %rem3A_552, %ne3A_553 : i32
        %lt3A = arith.constant 0 : i32
        %lt3A_555 = arith.cmpi slt, %rem3A_552, %lt3A : i32
        %lt3A_556 = arith.constant 0 : i32
        %lt3A_557 = arith.cmpi slt, %select_n3A_551, %lt3A_556 : i32
        %ne3A_558 = arith.xori %lt3A_555, %lt3A_557 : i1
        %and3A_559 = arith.andi %ne3A_558, %ne3A_554 : i1
        %add3A_560 = arith.addi %rem3A_552, %select_n3A_551 : i32
        %select_n3A_561 = arith.select %and3A_559, %add3A_560, %rem3A_552 : i32
        %mul3A_562 = arith.constant 16 : i32
        %mul3A_563 = arith.muli %select_n3A_561, %mul3A_562 : i32
        %get3A_564 = arith.index_cast %select_n3A : i32 to index
        %get3A_565 = arith.index_cast %mul3A_563 : i32 to index
        %get3A_566 = tpu.vector_load %arg13[%get3A_564, %get3A_565] {strides = array<i32>} : memref<25x80xf32, #tpu.memory_space<vmem>>, vector<16xf32>,
        %get3A_567 = arith.index_cast %mul3A_530 : i32 to index
        %get3A_568 = tpu.vector_load %arg11[%get3A_567] {strides = array<i32>} : memref<2000xi32, #tpu.memory_space<vmem>>, vector<16xi32>,
        %ne3A_569 = arith.constant 0.000000e+00 : f32
        %ne3A_570 = vector.broadcast %ne3A_569 : f32 to vector<16xf32>
        %ne3A_571 = arith.cmpf one, %get3A_531, %ne3A_570 : vector<16xf32>
        %ne3A_572 = arith.constant -1 : i32
        %ne3A_573 = vector.broadcast %ne3A_572 : i32 to vector<16xi32>
        %ne3A_574 = arith.cmpi ne, %get3A_568, %ne3A_573 : vector<16xi32>
        %and3A_575 = arith.andi %ne3A_571, %ne3A_574 : vector<16xi1>
        %div3A_576 = arith.divf %get3A_566, %get3A_531 : vector<16xf32>
        %jit3A_577 = arith.constant 1.000000e+00 : f32
        %broadcast_in_dim3A = vector.broadcast %jit3A_577 : f32 to vector<16xf32>
        %select_n3A_578 = arith.select %and3A_575, %div3A_576, %broadcast_in_dim3A : vector<16xi1>, vector<16xf32>
        %swap3A = arith.index_cast %mul3A_530 : i32 to index
        %swap3A_579 = tpu.vector_load %arg15[%swap3A] {strides = array<i32>} : memref<2000xf32, #tpu.memory_space<vmem>>, vector<16xf32>,
        tpu.vector_store %arg15[%swap3A], %select_n3A_578 {strides = array<i32>} : memref<2000xf32, #tpu.memory_space<vmem>>, vector<16xf32>,
        %scan3A_580 = arith.constant 0 : i32
        scf.yield %scan3A_580 : i32
      }
      %scan3A_525 = arith.constant 125 : i32
      "tpu.region"() ({
        %run_scoped3A = tpu.sem_alloc : memref<!tpu.dma_semaphore, #tpu.memory_space<semaphore_mem>>
        %dma_start3A_527 = tpu.memref_slice %arg7[%add3A_13] : memref<1600000xf32, #tpu.memory_space<hbm>> -> memref<2000xf32, #tpu.memory_space<hbm>>
        %dma_start3A_528 = tpu.memref_slice %arg7[%add3A_13] : memref<1600000xf32, #tpu.memory_space<hbm>> -> memref<2000xf32, #tpu.memory_space<hbm>>
        tpu.enqueue_dma source(%arg15 : memref<2000xf32, #tpu.memory_space<vmem>>) target(%dma_start3A_528 : memref<2000xf32, #tpu.memory_space<hbm>>) target_semaphore(%run_scoped3A : memref<!tpu.dma_semaphore, #tpu.memory_space<semaphore_mem>>)
        %dma_wait3A_529 = tpu.memref_slice %arg7[%add3A_13] : memref<1600000xf32, #tpu.memory_space<hbm>> -> memref<2000xf32, #tpu.memory_space<hbm>>
        %dma_wait3A_530 = tpu.memref_slice %arg7[%add3A_13] : memref<1600000xf32, #tpu.memory_space<hbm>> -> memref<2000xf32, #tpu.memory_space<hbm>>
        tpu.wait_dma2 semaphore(%run_scoped3A : memref<!tpu.dma_semaphore, #tpu.memory_space<semaphore_mem>>) src(%arg15 : memref<2000xf32, #tpu.memory_space<vmem>>) dst(%dma_wait3A_530 : memref<2000xf32, #tpu.memory_space<hbm>>)
        tpu.yield
      }) : () -> ()
      %scan3A_526 = arith.constant 0 : i32
      scf.yield %scan3A_526 : i32
    }
    %scan3A_6 = arith.constant 25 : i32
    return
  }
}

</mosaic_0001>

<sc_bundles>
// kernel: tvd_diff_sc.3.cloned.1.call-start
scs
__scs_entry_jumppad:
0x0: {  	(pc) =	sbr.rel $0x88, $3  }
0x1: {  	(tag) =	ssettag $0x0;
	lr =	simm.s32 $0x1  }
0x2: {  	[smem:$0x3F9D] =	sst lr;
	_ =	strace $0xD0000000  }
0x3: {  	_ = 	snop  }
0x4: {  	_ = 	snop  }
0x5: {  	_ = 	snop  }
0x6: {  	_ = 	snop  }
0x7: {  	_ = 	snop  }
__scs_overlays_trampoline_lowered:
0x8: {  	[smem:$0x3FAC] =	sst s0  }
0x9: {  	[smem:$0x3FAD] =	sst s1  }
0xa: {  	[smem:$0x3FAE] =	sst s2  }
0xb: {  	[smem:$0x3FAF] =	sst s3  }
0xc: {  	[smem:$0x3FB0] =	sst s4  }
0xd: {  	[smem:$0x3FB1] =	sst s5  }
0xe: {  	[smem:$0x3FB2] =	sst s6  }
0xf: {  	[smem:$0x3FB3] =	sst s7  }
0x10: {  	[smem:$0x3FB4] =	sst s8  }
0x11: {  	[smem:$0x3FB5] =	sst s9;
	s0 =	simm.s32 @!p0 $0x0  }
0x12: {  	s1 =	sld [smem:$0x3F9B];
	s0 =	simm.s32 @p0 $0x1  }
0x13: {  	[smem:$0x3FB6] =	sst s0;
	s0 =	simm.s32 @!p1 $0x0  }
0x14: {  	s2 =	sld [smem:$0x3F9A];
	s0 =	simm.s32 @p1 $0x1  }
0x15: {  	[smem:$0x3FB7] =	sst s0;
	s0 =	simm.s32 @!p2 $0x0  }
0x16: {  	s3 =	sld [smem:$0x3FDB];
	s0 =	simm.s32 @p2 $0x1  }
0x17: {  	s4 =	simm.s32 $0x1BF5;
	[smem:$0x3FB9] =	sst s0  }
0x18: {  	s0 =	sld [smem:$0x3F9C];
	_ =	swait.ge [sflag:s4], $0x0  }
0x19: {  	s7 =	sld [smem:$0x3F9D]  }
0x1a: {  	s8 =	sadd.s32 $0xFFFFE003, lr  }
0x1b: {  	s9 =	sadd.s32 $0xFFFFFEF7, lr;
	s5 =	simm.s32 $0xFFFFFFFF;
	p2 =	slt.u32 s8, $0xFFFFF086  }
0x1c: {  	p1 =	slt.u32 s9, $0xF7A;
	s5 =	simm.s32 @!p2 $0x0  }
0x1d: {  	s5 =	simm.s32 @p1 $0x1;
	p0 =	seq.s32 s7, s2  }
0x1e: {  	s7 =	smul.u32 @!p0 $0xF7A, s2;
	p2 =	seq.s32 @!p0 s5, $0x0  }
0x1f: {  	s9 =	smul.u32 $0xF7A, s1;
	s8 =	simm.s32 @!p0 $0x1BF5;
	p2 =	por !p2, p0  }
0x20: {  	[sflag:s8] =	ssyncset.s32 @!p0 $0xFFFFF086;
	s6 =	sadd.s32 @!p0 s3, s7;
	s7 =	simm.s32 @!p0 $0x108  }
0x21: {  	s3 =	sadd.s32 s3, s9;
	s6 =	sadd.s32 @!p0 $0x88, s6;
	s7 =	simm.s32 @p2 $0x1082  }
0x22: {  	[simem:s7], [sflag:s8] =	dma.local @!p0 [hbm:s6], $0xF7A  }
0x23: {  	s9 =	sor.u32 $0xD0000000, s2;
	s6 =	simm.s32 $0x108;
	_ =	swait.ge @!p0 [sflag:s8], $0x0  }
0x24: {  	s3 =	sadd.s32 $0x88, s3;
	s6 =	simm.s32 @!p1 $0x1082;
	[sflag:s4] =	ssyncset.s32 $0xFFFFF086  }
0x25: {  	[simem:s6], [sflag:s4] =	dma.local [hbm:s3], $0xF7A  }
0x26: {  	[smem:$0x3F9D] =	sst s1;
	(tag) =	ssettag s2;
	_ =	strace s9  }
0x27: {  	s1 =	sld [smem:$0x3FAD]  }
0x28: {  	s2 =	sld [smem:$0x3FAE]  }
0x29: {  	s4 =	sld [smem:$0x3FB0]  }
0x2a: {  	p0 =	seq.s32 s5, $0x0;
	s5 =	sld [smem:$0x3FB1]  }
0x2b: {  	s6 =	sld [smem:$0x3FB2]  }
0x2c: {  	s7 =	sld [smem:$0x3FB3]  }
0x2d: {  	s3 =	simm.s32 $0x108;
	s8 =	sld [smem:$0x3FB4]  }
0x2e: {  	s3 =	simm.s32 @!p0 $0x1082;
	s9 =	sld [smem:$0x3FB5]  }
0x2f: {  	lr =	sadd.s32 s0, s3;
	s0 =	sld [smem:$0x3FAC]  }
0x30: {  	s3 =	sld [smem:$0x3FAF]  }
0x31: {  	[smem:$0x3FB8] =	sst s10  }
0x32: {  	s10 =	sld [smem:$0x3FB6];
	_ =	sdelay $0x3  }
0x33: {  	p0 =	seq.s32 s10, $0x1;
	s10 =	sld [smem:$0x3FB8];
	_ =	sdelay $0x3  }
0x34: {  	[smem:$0x3FB8] =	sst s10  }
0x35: {  	s10 =	sld [smem:$0x3FB7];
	_ =	sdelay $0x3  }
0x36: {  	p1 =	seq.s32 s10, $0x1;
	s10 =	sld [smem:$0x3FB8];
	_ =	sdelay $0x3  }
0x37: {  	[smem:$0x3FB8] =	sst s10  }
0x38: {  	s10 =	sld [smem:$0x3FB9]  }
0x39: {  	_ = 	snop;
	(pc) =	sbr.ind lr, $3  }
0x3a: {  	_ = 	snop  }
0x3b: {  	_ = 	snop  }
0x3c: {  	p2 =	seq.s32 s10, $0x1;
	s10 =	sld [smem:$0x3FB8]  }
0x3d: {  	_ =	shalt  }
0x3e: {  	_ =	shalt  }
0x3f: {  	_ =	shalt  }
0x40: {  	_ =	shalt  }
0x41: {  	_ =	shalt  }
0x42: {  	_ =	shalt  }
0x43: {  	_ =	shalt  }
0x44: {  	_ =	shalt  }
0x45: {  	_ =	shalt  }
0x46: {  	_ =	shalt  }
0x47: {  	_ =	shalt  }
0x48: {  	_ =	shalt  }
0x49: {  	_ =	shalt  }
0x4a: {  	_ =	shalt  }
0x4b: {  	_ =	shalt  }
0x4c: {  	_ =	shalt  }
0x4d: {  	_ =	shalt  }
0x4e: {  	_ =	shalt  }
0x4f: {  	_ =	shalt  }
0x50: {  	_ =	shalt  }
0x51: {  	_ =	shalt  }
0x52: {  	_ =	shalt  }
0x53: {  	_ =	shalt  }
0x54: {  	_ =	shalt  }
0x55: {  	_ =	shalt  }
0x56: {  	_ =	shalt  }
0x57: {  	_ =	shalt  }
0x58: {  	_ =	shalt  }
0x59: {  	_ =	shalt  }
0x5a: {  	_ =	shalt  }
0x5b: {  	_ =	shalt  }
0x5c: {  	_ =	shalt  }
0x5d: {  	_ =	shalt  }
0x5e: {  	_ =	shalt  }
0x5f: {  	_ =	shalt  }
0x60: {  	_ =	shalt  }
0x61: {  	_ =	shalt  }
0x62: {  	_ =	shalt  }
0x63: {  	_ =	shalt  }
0x64: {  	_ =	shalt  }
0x65: {  	_ =	shalt  }
0x66: {  	_ =	shalt  }
0x67: {  	_ =	shalt  }
0x68: {  	_ =	shalt  }
0x69: {  	_ =	shalt  }
0x6a: {  	_ =	shalt  }
0x6b: {  	_ =	shalt  }
0x6c: {  	_ =	shalt  }
0x6d: {  	_ =	shalt  }
0x6e: {  	_ =	shalt  }
0x6f: {  	_ =	shalt  }
0x70: {  	_ =	shalt  }
0x71: {  	_ =	shalt  }
0x72: {  	_ =	shalt  }
0x73: {  	_ =	shalt  }
0x74: {  	_ =	shalt  }
0x75: {  	_ =	shalt  }
0x76: {  	_ =	shalt  }
0x77: {  	_ =	shalt  }
0x78: {  	_ =	shalt  }
0x79: {  	_ =	shalt  }
0x7a: {  	_ =	shalt  }
0x7b: {  	_ =	shalt  }
0x7c: {  	_ =	shalt  }
0x7d: {  	_ =	shalt  }
0x7e: {  	_ =	shalt  }
0x7f: {  	_ =	shalt  }
0x80: {  	_ =	shalt  }
0x81: {  	_ =	shalt  }
0x82: {  	_ =	shalt  }
0x83: {  	_ =	shalt  }
0x84: {  	_ =	shalt  }
0x85: {  	_ =	shalt  }
0x86: {  	_ =	shalt  }
0x87: {  	_ =	shalt  }
.Lfunc_end0:
.L_simem_size_0:
called_computation_lowered:
.L_overlay_start_0:
0x88: {  	s2 =	sld [smem:$0x3FD9]  }
0x89: {  	s3 =	sld [smem:$0x3FFE];
	_ =	sdelay $0x1  }
0x8a: {  	s1 =	srdreg.scid  }
0x8b: {  	s0 =	sand.u32 $0x1, s1  }
0x8c: {  	s17 =	sshll.u32 s0, $0xA;
	s2 =	sadd.s32 s3, s2  }
0x8d: {  	s2 =	sadd.s32 s2, s17  }
0x8e: {  	[smem:$0x3FC4] =	sst s2  }
0x8f: {  	_ = 	snop  }
0x90: {  	s2 =	sld [smem:$0x3FC9]  }
0x91: {  	s18 =	sld [smem:$0x3FC7]  }
0x92: {  	s4 =	sld [smem:$0x3FC6];
	(tm) =	ssettm $0x1  }
0x93: {  	s5 =	sld [smem:$0x3FFB];
	_ =	sdelay $0x3  }
0x94: {  	_ =	strace s5  }
0x95: {  	s5 =	sld [smem:$0x3FFC];
	_ =	sdelay $0x3  }
0x96: {  	_ =	strace s5  }
0x97: {  	s5 =	sld [smem:$0x3FFD];
	_ =	sdelay $0x3  }
0x98: {  	_ =	strace s5  }
0x99: {  	_ =	strace $0x8FFFFFFF  }
0x9a: {  	s19 =	sld [smem:$0x3FDB];
	_ =	sdelay $0x1  }
0x9b: {  	s6 =	simm.s32 $_scs_section_size  }
0x9c: {  	s7 =	simm.s32 $_size__tile_overlayer_lowered;
	s8 =	simm.s32 $_tile_overlayer_lowered  }
0x9d: {  	s22 =	simm.s32 $0x1BFF;
	s21 =	sshll.u32 s8, $0x1;
	s5 =	sadd.s32 s6, s19  }
0x9e: {  	s9 =	simm.s32 $0x0;
	s20 =	sshll.u32 s7, $0x1;
	s7 =	sadd.s32 s21, s5  }
0x9f: {  	[timem:s9], [sflag:s22] =	dma.local [hbm:s7], s20  }
0xa0: {  	_ =	swait.ge [sflag:s22], s20  }
0xa1: {  	s6 =	ssub.s32 $0x0, s20;
	[sflag:s22] =	ssyncset.done $0x0  }
0xa2: {  	[sflag:s22] =	ssyncadd.s32 s6;
	_ =	sdelay $0x1  }
0xa3: {  	s23 =	simm.s32 $0x1B8B  }
0xa4: {  	_ =	swait.ge [sflag:s23], $0x1  }
0xa5: {  	[sflag:s23] =	ssyncset.done $0x0  }
0xa6: {  	s25 =	simm.s32 $0x1B8E;
	s24 =	sld [smem:$0x3FFE];
	[sflag:s23] =	ssyncadd.s32 $0xFFFFFFFF  }
0xa7: {  	s26 =	simm.s32 $execute0_lowered;
	[smem:$0x3FD2] =	sst s25  }
0xa8: {  	s7 =	sshll.u32 s26, $0x1;
	_ =	strace $0x80000046;
	[dreg:$0x1] =	wrdreg $0xFFFFFFFF  }
0xa9: {  	s28 =	simm.s32 $_size_execute0_lowered;
	s5 =	sadd.s32 s5, s7;
	[dreg:$0x0] =	wrdreg $0x0  }
0xaa: {  	s7 =	sshll.u32 s28, $0x1;
	[dreg:$0x2] =	wrdreg s5  }
0xab: {  	[dreg:$0x3] =	wrdreg s7  }
0xac: {  	[dreg:$0x4] =	wrdreg $0xC0  }
0xad: {  	_ =	task [dreg:s9], $0x5FFFF  }
0xae: {  	[dreg:$0x1] =	wrdreg $0xFFFFFFFF  }
0xaf: {  	[dreg:$0x0] =	wrdreg $0x60  }
0xb0: {  	[dreg:$0x2] =	wrdreg s2  }
0xb1: {  	[dreg:$0x3] =	wrdreg s18  }
0xb2: {  	[dreg:$0x4] =	wrdreg s4  }
0xb3: {  	[dreg:$0x5] =	wrdreg s24  }
0xb4: {  	[dreg:$0x6] =	wrdreg $0x9  }
0xb5: {  	_ =	task.clear_ibuf [dreg:s9], $0x7FFFF;
	_ =	strace $0x90000046  }
0xb6: {  	s29 =	simm.s32 $0x9;
	_ =	strace $0x80000048  }
0xb7: {  	_ =	swait.ge [sflag:s29], $0x1  }
0xb8: {  	[sflag:s29] =	ssyncadd.s32 $0xFFFFFFFF  }
0xb9: {  	_ =	strace $0x90000048  }
0xba: {  	_ =	sfence  }
0xbb: {  	s30 =	sld [smem:$0x0];
	_ =	sdelay $0x2  }
0xbc: {  	s31 =	sshll.u32 s1, $0xD;
	s1 =	sshrl.u32 s1, $0x2  }
0xbd: {  	s3 =	sand.u32 $0x4000, s31;
	s1 =	sadd.s32 s1, s30  }
0xbe: {  	s0 =	sor.u32 s3, s0;
	s1 =	sshll.u32 s1, $0x11  }
0xbf: {  	s0 =	sor.u32 s1, s0  }
0xc0: {  	s0 =	sadd.s32 $0x8F2B, s0  }
0xc1: {  	[sflag:s0] =	ssyncadd.remote.s32 $0x1  }
0xc2: {  	_ =	sfence.sel $0xFFFF  }
0xc3: {  	[dreg:$0x0] =	wrdreg $0xFFFFFFFF;
	(pc) =	sbr.abs _section_cstart, $3  }
0xc4: {  	[dreg:$0x1] =	wrdreg $0xFFFFFFFF  }
0xc5: {  	_ =	task.clear_ibuf [dreg:s9], $0x2FFFF;
	_ =	strace $0x9FFFFFFF  }
0xc6: {  	(tm) =	ssettm $0x7FFFFFFF  }
0xc7: {  	_ =	shalt  }
tec
execute0_lowered:
.L_overlay_start_1:
0x0: {  	(tag) =	ssettag $0x1  }
0x1: {  	s1 =	rddreg [dreg:$0x0]  }
0x2: {  	s2 =	rddreg [dreg:$0x1]  }
0x3: {  	s3 =	rddreg [dreg:$0x2]  }
0x4: {  	s6 =	rddreg [dreg:$0x3]  }
0x5: {  	s0 =	rddreg [dreg:$0x4];
	s7 =	srdreg.scid  }
0x6: {  	s5 =	simm.s32 $0x0;
	s4 =	stileid.u32;
	s11 =	simm.s32 $0x18F00  }
0x7: {  	s12 =	simm.s32 $0x19700;
	s13 =	simm.s32 $0x0;
	s7 =	sand.u32 $0x1, s7  }
0x8: {  	[smem:$0x7FF] =	sst s5;
	s9 =	sshll.u32 s4, $0x1;
	s8 =	ssub.s32 $0x2, s7  }
0x9: {  	s6 =	sadd.s32 $0x400, s6;
	_ =	strace $0x80000047;
	s10 =	sshrl.u32 s8, $0x1  }
0xa: {  	s7 =	sor.u32 s7, s9;
	s9 =	simm.s32 $0x1;
	s8 =	ssub.s32 s8, s10  }
0xb: {  	s7 =	smul.u32 $0xC350, s7;
	s10 =	simm.s32 $0x18700;
	s8 =	smax.u32 s8, $0x1  }
.LBB2_1:
0xc: {  	[tilespmem:s5], [sflag:$0x1] =	stream.linear.gather [hbm4b:s1+s5], $0x186A0, $0x38;
	[tilespmem:$0x19F00] =	vst v63  }
0xd: {  	_ =	swait.ge [sflag:s9], $0x186A0  }
0xe: {  	[sflag:s9] =	ssyncset.done $0x0  }
0xf: {  	s14 =	simm.s32 $0x0;
	[sflag:s9] =	ssyncadd.s32 $0xFFFE7960  }
.LBB2_2:
0x10: {  	s15 =	smul.u32 $0x7D0, s14;
	_ =	sdelay $0x1  }
0x11: {  	s15 =	sadd.s32 s7, s15  }
0x12: {  	s15 =	sshrl.u32 s15, $0x3  }
0x13: {  	s17 =	simm.s32 $0x0;
	s16 =	sadd.s32 s2, s15  }
0x14: {  	[tilespmem:s10], [sflag:$0x1] =	stream.linear.gather [hbm4b:s16+s17], $0x7D0, $0x38;
	[tilespmem:$0x19F00] =	vst v63  }
0x15: {  	_ =	swait.ge [sflag:s9], $0x7D0  }
0x16: {  	[sflag:s9] =	ssyncset.done $0x0  }
0x17: {  	s31 =	sadd.s32 s3, s15;
	[sflag:s9] =	ssyncadd.s32 $0xFFFFF830  }
0x18: {  	[tilespmem:s11], [sflag:$0x1] =	stream.linear.gather [hbm4b:s31+s17], $0x7D0, $0x38;
	[tilespmem:$0x19F00] =	vst v63  }
0x19: {  	_ =	swait.ge [sflag:s9], $0x7D0  }
0x1a: {  	[sflag:s9] =	ssyncset.done $0x0  }
0x1b: {  	s16 =	simm.s32 $0x0;
	[sflag:s9] =	ssyncadd.s32 $0xFFFFF830  }
0x1c: {  	v0 =	vld [tilespmem:s16+$0x18F00]  }
0x1d: {  	v1 =	vld [tilespmem:s16+$0x18700];
	_ =	sdelay $0x6  }
0x1e: {  	v0 =	vld.idx.msk [tilespmem:v0+s5+$0x0], $0xffff  }
0x1f: {  	s17 =	simm.s32 $0x10;
	v2 =	vld.idx.msk [tilespmem:v1+s5+$0x0], $0xffff  }
0x20: {  	s18 =	simm.s32 $0x80;
	v1 =	vld [tilespmem:s17+$0x18F00]  }
.LBB2_3:
0x21: {  	p0 =	sne.s32 s18, $0x1F00;
	v3 =	vld [tilespmem:s17+$0x18700];
	_ =	sdelay $0x3  }
0x22: {  	v0 =	vsub.f32 v2, v0  }
.Ltmp0:
0x23: {  	(pc) =	sbr.rel @p0 .LBB2_3-.Ltmp0, $4  }
0x24: {  	[tilespmem:s16+$0x19700] =	vst v0;
	s16 =	smov.u32 s17  }
0x25: {  	v0 =	vld.idx.msk [tilespmem:v1+s5+$0x0], $0xffff  }
0x26: {  	s17 =	sshra.s32 s18, $0x2;
	v2 =	vld.idx.msk [tilespmem:v3+s5+$0x0], $0xffff  }
0x27: {  	s18 =	sadd.s32 $0x40, s18;
	v1 =	vld [tilespmem:s17+$0x18F00]  }
0x28: {  	_ = 	snop  }
0x29: {  	v3 =	vld [tilespmem:s17+$0x18700];
	_ =	sdelay $0x3  }
0x2a: {  	v0 =	vsub.f32 v2, v0;
	_ =	sdelay $0x1  }
0x2b: {  	[tilespmem:s16+$0x19700] =	vst v0  }
0x2c: {  	v0 =	vld.idx.msk [tilespmem:v1+s5+$0x0], $0xffff  }
0x2d: {  	v63 =	vld.idx.msk [tilespmem:v3+s5+$0x0], $0xffff;
	_ =	sdelay $0x4  }
0x2e: {  	s14 =	sadd.s32 $0x1, s14;
	v0 =	vsub.f32 v63, v0  }
0x2f: {  	p0 =	sne.s32 s14, $0x19  }
.Ltmp1:
0x30: {  	s15 =	sadd.s32 s6, s15;
	[tilespmem:s17+$0x19700] =	vst v0;
	(pc) =	sbr.rel @p0 .LBB2_2-.Ltmp1, $4  }
0x31: {  	[hbm4b:s15+s5] =	stream.linear.scatter [tilespmem:s12], [sflag:$0x1], $0x7D0, $0x38;
	[tilespmem:$0x19F00] =	vst v63  }
0x32: {  	_ =	swait.ge [sflag:s9], $0x7D0  }
0x33: {  	[sflag:s9] =	ssyncset.done $0x0  }
0x34: {  	[sflag:s9] =	ssyncadd.s32 $0xFFFFF830  }
0x35: {  	s13 =	sadd.s32 $0x1, s13  }
0x36: {  	p0 =	sne.s32 s13, s8  }
.Ltmp2:
0x37: {  	_ = 	snop;
	(pc) =	sbr.rel @p0 .LBB2_1-.Ltmp2, $1  }
0x38: {  	_ =	sdelay $0x3  }
0x39: {  	_ =	sfence.sel $0x180000  }
0x3a: {  	[bflag:$0x0] =	sbarrier.arrive $0xFFFF  }
0x3b: {  	p0 =	sne.s32 s4, $0x0;
	_ =	strace $0x90000047  }
0x3c: {  	s0 =	sadd.s32 @!p0 $0x100000, s0;
	[bflag:$0x2] =	sbarrier.arrive $0xFFFF  }
0x3d: {  	[sflag:s0] =	ssyncadd.tile.s32 @!p0 $0x1;
	_ =	shalt  }
.Lfunc_end2:
_tile_overlayer_lowered:
.L_overlay_start_2:
0x3e: {  	(tag) =	ssettag $0x2  }
0x3f: {  	s0 =	rddreg [dreg:$0x0];
	s2 =	stileid.u32  }
0x40: {  	s1 =	rddreg [dreg:$0x1];
	p0 =	sne.s32 s2, $0x0  }
0x41: {  	s3 =	rddreg [dreg:$0x2];
	[bflag:$0x3] =	sbarrier.arrive $0xFFFF;
	s2 =	simm.s32 @!p0 $0x1C01  }
0x42: {  	[timem:s3], [sflag:s2] =	dma.local @!p0 [hbm:s0], s1  }
0x43: {  	s0 =	simm.s32 @!p0 $0x1  }
0x44: {  	_ =	swait.ge @!p0 [sflag:s0], s1  }
0x45: {  	s1 =	ssub.s32 @!p0 $0x0, s1;
	[sflag:s0] =	ssyncset.done @!p0 $0x0  }
0x46: {  	[sflag:s0] =	ssyncadd.s32 @!p0 s1  }
0x47: {  	[bflag:$0x3] =	sbarrier.arrive $0xFFFF  }
0x48: {  	_ =	shalt  }

// kernel: tvd_ratio_sc.3.cloned.1.call-start
scs
__scs_entry_jumppad:
0x0: {  	(pc) =	sbr.rel $0x88, $3  }
0x1: {  	(tag) =	ssettag $0x0;
	lr =	simm.s32 $0x1  }
0x2: {  	[smem:$0x3F9D] =	sst lr;
	_ =	strace $0xD0000000  }
0x3: {  	_ = 	snop  }
0x4: {  	_ = 	snop  }
0x5: {  	_ = 	snop  }
0x6: {  	_ = 	snop  }
0x7: {  	_ = 	snop  }
__scs_overlays_trampoline_lowered:
0x8: {  	[smem:$0x3FAC] =	sst s0  }
0x9: {  	[smem:$0x3FAD] =	sst s1  }
0xa: {  	[smem:$0x3FAE] =	sst s2  }
0xb: {  	[smem:$0x3FAF] =	sst s3  }
0xc: {  	[smem:$0x3FB0] =	sst s4  }
0xd: {  	[smem:$0x3FB1] =	sst s5  }
0xe: {  	[smem:$0x3FB2] =	sst s6  }
0xf: {  	[smem:$0x3FB3] =	sst s7  }
0x10: {  	[smem:$0x3FB4] =	sst s8  }
0x11: {  	[smem:$0x3FB5] =	sst s9;
	s0 =	simm.s32 @!p0 $0x0  }
0x12: {  	s1 =	sld [smem:$0x3F9B];
	s0 =	simm.s32 @p0 $0x1  }
0x13: {  	[smem:$0x3FB6] =	sst s0;
	s0 =	simm.s32 @!p1 $0x0  }
0x14: {  	s2 =	sld [smem:$0x3F9A];
	s0 =	simm.s32 @p1 $0x1  }
0x15: {  	[smem:$0x3FB7] =	sst s0;
	s0 =	simm.s32 @!p2 $0x0  }
0x16: {  	s3 =	sld [smem:$0x3FDB];
	s0 =	simm.s32 @p2 $0x1  }
0x17: {  	s4 =	simm.s32 $0x1BF5;
	[smem:$0x3FB9] =	sst s0  }
0x18: {  	s0 =	sld [smem:$0x3F9C];
	_ =	swait.ge [sflag:s4], $0x0  }
0x19: {  	s7 =	sld [smem:$0x3F9D]  }
0x1a: {  	s8 =	sadd.s32 $0xFFFFE003, lr  }
0x1b: {  	s9 =	sadd.s32 $0xFFFFFEF7, lr;
	s5 =	simm.s32 $0xFFFFFFFF;
	p2 =	slt.u32 s8, $0xFFFFF086  }
0x1c: {  	p1 =	slt.u32 s9, $0xF7A;
	s5 =	simm.s32 @!p2 $0x0  }
0x1d: {  	s5 =	simm.s32 @p1 $0x1;
	p0 =	seq.s32 s7, s2  }
0x1e: {  	s7 =	smul.u32 @!p0 $0xF7A, s2;
	p2 =	seq.s32 @!p0 s5, $0x0  }
0x1f: {  	s9 =	smul.u32 $0xF7A, s1;
	s8 =	simm.s32 @!p0 $0x1BF5;
	p2 =	por !p2, p0  }
0x20: {  	[sflag:s8] =	ssyncset.s32 @!p0 $0xFFFFF086;
	s6 =	sadd.s32 @!p0 s3, s7;
	s7 =	simm.s32 @!p0 $0x108  }
0x21: {  	s3 =	sadd.s32 s3, s9;
	s6 =	sadd.s32 @!p0 $0x88, s6;
	s7 =	simm.s32 @p2 $0x1082  }
0x22: {  	[simem:s7], [sflag:s8] =	dma.local @!p0 [hbm:s6], $0xF7A  }
0x23: {  	s9 =	sor.u32 $0xD0000000, s2;
	s6 =	simm.s32 $0x108;
	_ =	swait.ge @!p0 [sflag:s8], $0x0  }
0x24: {  	s3 =	sadd.s32 $0x88, s3;
	s6 =	simm.s32 @!p1 $0x1082;
	[sflag:s4] =	ssyncset.s32 $0xFFFFF086  }
0x25: {  	[simem:s6], [sflag:s4] =	dma.local [hbm:s3], $0xF7A  }
0x26: {  	[smem:$0x3F9D] =	sst s1;
	(tag) =	ssettag s2;
	_ =	strace s9  }
0x27: {  	s1 =	sld [smem:$0x3FAD]  }
0x28: {  	s2 =	sld [smem:$0x3FAE]  }
0x29: {  	s4 =	sld [smem:$0x3FB0]  }
0x2a: {  	p0 =	seq.s32 s5, $0x0;
	s5 =	sld [smem:$0x3FB1]  }
0x2b: {  	s6 =	sld [smem:$0x3FB2]  }
0x2c: {  	s7 =	sld [smem:$0x3FB3]  }
0x2d: {  	s3 =	simm.s32 $0x108;
	s8 =	sld [smem:$0x3FB4]  }
0x2e: {  	s3 =	simm.s32 @!p0 $0x1082;
	s9 =	sld [smem:$0x3FB5]  }
0x2f: {  	lr =	sadd.s32 s0, s3;
	s0 =	sld [smem:$0x3FAC]  }
0x30: {  	s3 =	sld [smem:$0x3FAF]  }
0x31: {  	[smem:$0x3FB8] =	sst s10  }
0x32: {  	s10 =	sld [smem:$0x3FB6];
	_ =	sdelay $0x3  }
0x33: {  	p0 =	seq.s32 s10, $0x1;
	s10 =	sld [smem:$0x3FB8];
	_ =	sdelay $0x3  }
0x34: {  	[smem:$0x3FB8] =	sst s10  }
0x35: {  	s10 =	sld [smem:$0x3FB7];
	_ =	sdelay $0x3  }
0x36: {  	p1 =	seq.s32 s10, $0x1;
	s10 =	sld [smem:$0x3FB8];
	_ =	sdelay $0x3  }
0x37: {  	[smem:$0x3FB8] =	sst s10  }
0x38: {  	s10 =	sld [smem:$0x3FB9]  }
0x39: {  	_ = 	snop;
	(pc) =	sbr.ind lr, $3  }
0x3a: {  	_ = 	snop  }
0x3b: {  	_ = 	snop  }
0x3c: {  	p2 =	seq.s32 s10, $0x1;
	s10 =	sld [smem:$0x3FB8]  }
0x3d: {  	_ =	shalt  }
0x3e: {  	_ =	shalt  }
0x3f: {  	_ =	shalt  }
0x40: {  	_ =	shalt  }
0x41: {  	_ =	shalt  }
0x42: {  	_ =	shalt  }
0x43: {  	_ =	shalt  }
0x44: {  	_ =	shalt  }
0x45: {  	_ =	shalt  }
0x46: {  	_ =	shalt  }
0x47: {  	_ =	shalt  }
0x48: {  	_ =	shalt  }
0x49: {  	_ =	shalt  }
0x4a: {  	_ =	shalt  }
0x4b: {  	_ =	shalt  }
0x4c: {  	_ =	shalt  }
0x4d: {  	_ =	shalt  }
0x4e: {  	_ =	shalt  }
0x4f: {  	_ =	shalt  }
0x50: {  	_ =	shalt  }
0x51: {  	_ =	shalt  }
0x52: {  	_ =	shalt  }
0x53: {  	_ =	shalt  }
0x54: {  	_ =	shalt  }
0x55: {  	_ =	shalt  }
0x56: {  	_ =	shalt  }
0x57: {  	_ =	shalt  }
0x58: {  	_ =	shalt  }
0x59: {  	_ =	shalt  }
0x5a: {  	_ =	shalt  }
0x5b: {  	_ =	shalt  }
0x5c: {  	_ =	shalt  }
0x5d: {  	_ =	shalt  }
0x5e: {  	_ =	shalt  }
0x5f: {  	_ =	shalt  }
0x60: {  	_ =	shalt  }
0x61: {  	_ =	shalt  }
0x62: {  	_ =	shalt  }
0x63: {  	_ =	shalt  }
0x64: {  	_ =	shalt  }
0x65: {  	_ =	shalt  }
0x66: {  	_ =	shalt  }
0x67: {  	_ =	shalt  }
0x68: {  	_ =	shalt  }
0x69: {  	_ =	shalt  }
0x6a: {  	_ =	shalt  }
0x6b: {  	_ =	shalt  }
0x6c: {  	_ =	shalt  }
0x6d: {  	_ =	shalt  }
0x6e: {  	_ =	shalt  }
0x6f: {  	_ =	shalt  }
0x70: {  	_ =	shalt  }
0x71: {  	_ =	shalt  }
0x72: {  	_ =	shalt  }
0x73: {  	_ =	shalt  }
0x74: {  	_ =	shalt  }
0x75: {  	_ =	shalt  }
0x76: {  	_ =	shalt  }
0x77: {  	_ =	shalt  }
0x78: {  	_ =	shalt  }
0x79: {  	_ =	shalt  }
0x7a: {  	_ =	shalt  }
0x7b: {  	_ =	shalt  }
0x7c: {  	_ =	shalt  }
0x7d: {  	_ =	shalt  }
0x7e: {  	_ =	shalt  }
0x7f: {  	_ =	shalt  }
0x80: {  	_ =	shalt  }
0x81: {  	_ =	shalt  }
0x82: {  	_ =	shalt  }
0x83: {  	_ =	shalt  }
0x84: {  	_ =	shalt  }
0x85: {  	_ =	shalt  }
0x86: {  	_ =	shalt  }
0x87: {  	_ =	shalt  }
.Lfunc_end0:
.L_simem_size_0:
called_computation.1_lowered:
.L_overlay_start_0:
0x88: {  	s2 =	sld [smem:$0x3FD9]  }
0x89: {  	s3 =	sld [smem:$0x3FFE];
	_ =	sdelay $0x1  }
0x8a: {  	s1 =	srdreg.scid  }
0x8b: {  	s0 =	sand.u32 $0x1, s1  }
0x8c: {  	s14 =	sshll.u32 s0, $0xA;
	s2 =	sadd.s32 s3, s2  }
0x8d: {  	s2 =	sadd.s32 s2, s14  }
0x8e: {  	[smem:$0x3FC4] =	sst s2  }
0x8f: {  	_ = 	snop  }
0x90: {  	s2 =	sld [smem:$0x3FD0];
	_ =	sdelay $0x2  }
0x91: {  	s4 =	simm.s32 $0xA;
	s5 =	simm.s32 $0x10;
	s15 =	sld [smem:$0x3FC9]  }
0x92: {  	[smem:s5], [sflag:s4] =	dma.local [hbm:s2], $0x1  }
0x93: {  	_ =	swait.eq [sflag:s4], $0x1  }
0x94: {  	[sflag:s4] =	ssyncset.done $0x0  }
0x95: {  	s16 =	sld [smem:$0x10];
	[sflag:s4] =	ssyncadd.s32 $0xFFFFFFFF  }
0x96: {  	s17 =	sld [smem:$0x11];
	(tm) =	ssettm $0x1  }
0x97: {  	s18 =	sld [smem:$0x3FFB];
	_ =	sdelay $0x3  }
0x98: {  	_ =	strace s18  }
0x99: {  	s5 =	sld [smem:$0x3FFC];
	_ =	sdelay $0x3  }
0x9a: {  	_ =	strace s5  }
0x9b: {  	s5 =	sld [smem:$0x3FFD];
	_ =	sdelay $0x3  }
0x9c: {  	_ =	strace s5  }
0x9d: {  	_ =	strace $0x8FFFFFFF  }
0x9e: {  	s19 =	sld [smem:$0x3FDB];
	_ =	sdelay $0x1  }
0x9f: {  	s6 =	simm.s32 $_scs_section_size  }
0xa0: {  	s7 =	simm.s32 $_size__tile_overlayer_lowered;
	s8 =	simm.s32 $_tile_overlayer_lowered  }
0xa1: {  	s22 =	simm.s32 $0x1BFF;
	s21 =	sshll.u32 s8, $0x1;
	s5 =	sadd.s32 s6, s19  }
0xa2: {  	s9 =	simm.s32 $0x0;
	s20 =	sshll.u32 s7, $0x1;
	s7 =	sadd.s32 s21, s5  }
0xa3: {  	[timem:s9], [sflag:s22] =	dma.local [hbm:s7], s20  }
0xa4: {  	_ =	swait.ge [sflag:s22], s20  }
0xa5: {  	s6 =	ssub.s32 $0x0, s20;
	[sflag:s22] =	ssyncset.done $0x0  }
0xa6: {  	[sflag:s22] =	ssyncadd.s32 s6;
	_ =	sdelay $0x1  }
0xa7: {  	s23 =	simm.s32 $0x1B8B  }
0xa8: {  	_ =	swait.ge [sflag:s23], $0x1  }
0xa9: {  	[sflag:s23] =	ssyncset.done $0x0  }
0xaa: {  	s25 =	simm.s32 $0x1B8E;
	s24 =	sld [smem:$0x3FFE];
	[sflag:s23] =	ssyncadd.s32 $0xFFFFFFFF  }
0xab: {  	s26 =	simm.s32 $execute0_lowered;
	[smem:$0x3FD2] =	sst s25  }
0xac: {  	s7 =	sshll.u32 s26, $0x1;
	_ =	strace $0x80000049;
	[dreg:$0x1] =	wrdreg $0xFFFFFFFF  }
0xad: {  	s28 =	simm.s32 $_size_execute0_lowered;
	s5 =	sadd.s32 s5, s7;
	[dreg:$0x0] =	wrdreg $0x0  }
0xae: {  	s7 =	sshll.u32 s28, $0x1;
	[dreg:$0x2] =	wrdreg s5  }
0xaf: {  	[dreg:$0x3] =	wrdreg s7  }
0xb0: {  	[dreg:$0x4] =	wrdreg $0xC0  }
0xb1: {  	_ =	task [dreg:s9], $0x5FFFF  }
0xb2: {  	[dreg:$0x1] =	wrdreg $0xFFFFFFFF  }
0xb3: {  	[dreg:$0x0] =	wrdreg $0x60  }
0xb4: {  	[dreg:$0x2] =	wrdreg s15  }
0xb5: {  	[dreg:$0x3] =	wrdreg s24  }
0xb6: {  	[dreg:$0x4] =	wrdreg s16  }
0xb7: {  	[dreg:$0x5] =	wrdreg s17  }
0xb8: {  	[dreg:$0x6] =	wrdreg $0x9  }
0xb9: {  	_ =	task.clear_ibuf [dreg:s9], $0x7FFFF;
	_ =	strace $0x90000049  }
0xba: {  	s29 =	simm.s32 $0x9;
	_ =	strace $0x8000004B  }
0xbb: {  	_ =	swait.ge [sflag:s29], $0x1  }
0xbc: {  	[sflag:s29] =	ssyncadd.s32 $0xFFFFFFFF  }
0xbd: {  	_ =	strace $0x9000004B  }
0xbe: {  	_ =	sfence  }
0xbf: {  	s30 =	sld [smem:$0x0];
	_ =	sdelay $0x2  }
0xc0: {  	s31 =	sshll.u32 s1, $0xD;
	s1 =	sshrl.u32 s1, $0x2  }
0xc1: {  	s3 =	sand.u32 $0x4000, s31;
	s1 =	sadd.s32 s1, s30  }
0xc2: {  	s0 =	sor.u32 s3, s0;
	s1 =	sshll.u32 s1, $0x11  }
0xc3: {  	s0 =	sor.u32 s1, s0  }
0xc4: {  	s0 =	sadd.s32 $0x8F2B, s0  }
0xc5: {  	[sflag:s0] =	ssyncadd.remote.s32 $0x1  }
0xc6: {  	_ =	sfence.sel $0xFFFF  }
0xc7: {  	[dreg:$0x0] =	wrdreg $0xFFFFFFFF;
	(pc) =	sbr.abs _section_cstart, $3  }
0xc8: {  	[dreg:$0x1] =	wrdreg $0xFFFFFFFF  }
0xc9: {  	_ =	task.clear_ibuf [dreg:s9], $0x2FFFF;
	_ =	strace $0x9FFFFFFF  }
0xca: {  	(tm) =	ssettm $0x7FFFFFFF  }
0xcb: {  	_ =	shalt  }
tec
execute0_lowered:
.L_overlay_start_1:
0x0: {  	(tag) =	ssettag $0x1  }
0x1: {  	s0 =	rddreg [dreg:$0x1];
	s1 =	simm.s32 $0x0;
	s25 =	srdreg.scid  }
0x2: {  	s4 =	stileid.u32;
	s11 =	simm.s32 $0x2;
	s12 =	simm.s32 $0x50  }
0x3: {  	s28 =	simm.s32 $0x3980;
	s29 =	simm.s32 $0x2A00;
	s30 =	simm.s32 $0x3A00  }
0x4: {  	s31 =	simm.s32 $0x2A80;
	s5 =	simm.s32 $0x2B00;
	s10 =	simm.s32 $0x3B00  }
0x5: {  	s13 =	simm.s32 $0x1;
	s14 =	simm.s32 $0x4800;
	s16 =	simm.s32 $0x0  }
0x6: {  	[smem:$0x7FF] =	sst s1;
	s1 =	sand.u32 $0x1, s25;
	s6 =	sadd.s32 $0x62000, s0  }
0x7: {  	s7 =	sadd.s32 $0x31200, s0;
	s4 =	sshll.u32 s4, $0x1;
	s8 =	sadd.s32 $0x400, s0  }
0x8: {  	s25 =	simm.s32 $0x3900;
	_ =	strace $0x8000004A;
	s2 =	ssub.s32 $0x2, s1  }
0x9: {  	s1 =	sor.u32 s1, s4;
	s4 =	simm.s32 $0x3C00;
	s3 =	sshrl.u32 s2, $0x1  }
0xa: {  	s9 =	smul.u32 $0xC350, s1;
	s1 =	simm.s32 $0x2B80;
	s26 =	ssub.s32 s2, s3  }
0xb: {  	s2 =	simm.s32 $0x3B80;
	s3 =	simm.s32 $0x2C00;
	s0 =	smax.u32 s26, $0x1  }
0xc: {  	s26 =	simm.s32 $0x2980;
	[dreg:$0x5] =	wrdreg s0;
	s0 =	simm.s32 $0x3A80  }
.LBB2_1:
0xd: {  	[dreg:$0x6] =	wrdreg s16;
	s15 =	simm.s32 $0x0  }
.LBB2_2:
0xe: {  	s16 =	smul.u32 $0x7D0, s15;
	_ =	sdelay $0x1  }
0xf: {  	s16 =	sadd.s32 s9, s16  }
0x10: {  	s17 =	rddreg [dreg:$0x0];
	s16 =	sshrl.u32 s16, $0x3  }
0x11: {  	s18 =	sadd.s32 s17, s16;
	s17 =	simm.s32 $0x0  }
0x12: {  	[tilespmem:s17], [sflag:$0x2] =	stream.linear.gather [hbm4b:s18+s17], $0x7D0, $0x38;
	[tilespmem:$0x5000] =	vst v63  }
0x13: {  	_ =	swait.ge [sflag:s11], $0x7D0  }
0x14: {  	[sflag:s11] =	ssyncset.done $0x0  }
0x15: {  	s19 =	sadd.s32 s6, s16;
	s18 =	simm.s32 $0x800;
	[sflag:s11] =	ssyncadd.s32 $0xFFFFF830  }
0x16: {  	[tilespmem:s18], [sflag:$0x2] =	stream.linear.gather [hbm4b:s19+s17], $0x7D0, $0x38;
	[tilespmem:$0x5000] =	vst v63  }
0x17: {  	_ =	swait.ge [sflag:s11], $0x7D0  }
0x18: {  	[sflag:s11] =	ssyncset.done $0x0  }
0x19: {  	s20 =	simm.s32 $0x1000;
	s22 =	sadd.s32 s7, s16;
	[sflag:s11] =	ssyncadd.s32 $0xFFFFF830  }
0x1a: {  	[tilespmem:s20], [sflag:$0x2] =	stream.linear.gather [hbm4b:s22+s17], $0x7D0, $0x38;
	[tilespmem:$0x5000] =	vst v63  }
0x1b: {  	_ =	swait.ge [sflag:s11], $0x7D0  }
0x1c: {  	[sflag:s11] =	ssyncset.done $0x0  }
0x1d: {  	s23 =	smul.u32 $0xCD, s17;
	[sflag:s11] =	ssyncadd.s32 $0xFFFFF830  }
0x1e: {  	v0 =	vld [tilespmem:s20+$0x0]  }
0x1f: {  	s24 =	sshrl.u32 s23, $0xA;
	v1 =	vld [tilespmem:s17+$0x0]  }
0x20: {  	v2 =	vld [tilespmem:s18+$0x0];
	s20 =	sand.u32 $0x3F, s24  }
0x21: {  	s20 =	smul.u32 $0x5, s20;
	_ =	sdelay $0x1  }
0x22: {  	s20 =	ssub.s32 $0x0, s20  }
0x23: {  	s21 =	sshrl.u32 s23, $0x3;
	s20 =	sand.u32 $0xFF, s20;
	vm0 =	vle.f32 v1, $0.0e+00  }
0x24: {  	s21 =	sand.u32 $0x1F80, s21;
	s19 =	simm.s32 $0x1800;
	s22 =	sshll.u32 s20, $0x4;
	v0 =	vsel vm0, v0, v2  }
0x25: {  	s20 =	simm.s32 $0x1;
	s23 =	sor.u32 s22, s21;
	[tilespmem:s19+$0x0] =	vst v0  }
0x26: {  	s21 =	smul.u32 $0xCD, s20;
	s22 =	simm.s32 $0x2;
	[tilespmem:s23+$0x2000] =	vst v0;
	s23 =	simm.s32 $0x1010  }
.LBB2_3:
0x27: {  	p0 =	sne.s32 s22, $0x7C;
	v0 =	vld [tilespmem:s23+$0x0];
	s17 =	sadd.s32 $0x10, s17  }
0x28: {  	s18 =	sadd.s32 $0x10, s18;
	v1 =	vld [tilespmem:s17+$0x0];
	s24 =	sshrl.u32 s21, $0xA  }
0x29: {  	v2 =	vld [tilespmem:s18+$0x0];
	s24 =	sand.u32 $0x3F, s24  }
0x2a: {  	s24 =	smul.u32 $0x5, s24;
	_ =	sdelay $0x1  }
.Ltmp0:
0x2b: {  	s24 =	ssub.s32 s20, s24;
	s20 =	smov.u32 s22;
	(pc) =	sbr.rel @p0 .LBB2_3-.Ltmp0, $4  }
0x2c: {  	s21 =	sshrl.u32 s21, $0x3;
	vm0 =	vle.f32 v1, $0.0e+00;
	s24 =	sand.u32 $0xFF, s24  }
0x2d: {  	s19 =	sadd.s32 $0x10, s19;
	s21 =	sand.u32 $0x1F80, s21;
	v0 =	vsel vm0, v0, v2;
	s24 =	sshll.u32 s24, $0x4  }
0x2e: {  	[tilespmem:s19+$0x0] =	vst v0;
	s24 =	sor.u32 s24, s21  }
0x2f: {  	s23 =	sadd.s32 $0x10, s23;
	s22 =	sadd.s32 $0x1, s22;
	s21 =	smul.u32 $0xCD, s20;
	[tilespmem:s24+$0x2000] =	vst v0  }
0x30: {  	v0 =	vld [tilespmem:s23+$0x0];
	s17 =	sadd.s32 $0x10, s17  }
0x31: {  	s18 =	sadd.s32 $0x10, s18;
	v1 =	vld [tilespmem:s17+$0x0];
	s23 =	sshrl.u32 s21, $0xA  }
0x32: {  	v2 =	vld [tilespmem:s18+$0x0];
	s17 =	sand.u32 $0x3F, s23  }
0x33: {  	s17 =	smul.u32 $0x5, s17;
	_ =	sdelay $0x1  }
0x34: {  	s17 =	ssub.s32 s20, s17  }
0x35: {  	s24 =	sshrl.u32 s21, $0x3;
	vm0 =	vle.f32 v1, $0.0e+00;
	s17 =	sand.u32 $0xFF, s17  }
0x36: {  	s19 =	sadd.s32 $0x10, s19;
	s18 =	sand.u32 $0x1F80, s24;
	v0 =	vsel vm0, v0, v2;
	s17 =	sshll.u32 s17, $0x4  }
0x37: {  	[tilespmem:s19+$0x0] =	vst v0;
	s17 =	sor.u32 s17, s18;
	s19 =	rddreg [dreg:$0x2]  }
0x38: {  	s18 =	simm.s32 $0x0;
	[tilespmem:s17+$0x2000] =	vst v0;
	s20 =	sadd.s32 s19, s16;
	s17 =	simm.s32 $0x1800  }
0x39: {  	[hbm4b:s20+s18] =	stream.linear.scatter [tilespmem:s17], [sflag:$0x2], $0x7D0, $0x38;
	[tilespmem:$0x5000] =	vst v63  }
0x3a: {  	_ =	swait.ge [sflag:s11], $0x7D0  }
0x3b: {  	[sflag:s11] =	ssyncset.done $0x0  }
0x3c: {  	s22 =	simm.s32 $0x3000;
	s21 =	simm.s32 $0x2000;
	[sflag:s11] =	ssyncadd.s32 $0xFFFFF830  }
0x3d: {  	[tilespmem:s22], [sflag:$0x1] =	stream.indirect.gather [hbm4b:s8+s12], $0x1, s21, s12, $0xb8;
	[tilespmem:$0x5000] =	vst v63  }
0x3e: {  	s23 =	simm.s32 $0x2080;
	s24 =	simm.s32 $0x3080  }
0x3f: {  	[tilespmem:s24], [sflag:$0x1] =	stream.indirect.gather [hbm4b:s8+s12], $0x1, s23, s12, $0xb8;
	[tilespmem:$0x5000] =	vst v63  }
0x40: {  	s21 =	simm.s32 $0x2100;
	s22 =	simm.s32 $0x3100  }
0x41: {  	[tilespmem:s22], [sflag:$0x1] =	stream.indirect.gather [hbm4b:s8+s12], $0x1, s21, s12, $0xb8;
	[tilespmem:$0x5000] =	vst v63  }
0x42: {  	s23 =	simm.s32 $0x2180;
	s24 =	simm.s32 $0x3180  }
0x43: {  	[tilespmem:s24], [sflag:$0x1] =	stream.indirect.gather [hbm4b:s8+s12], $0x1, s23, s12, $0xb8;
	[tilespmem:$0x5000] =	vst v63  }
0x44: {  	s21 =	simm.s32 $0x2200;
	s22 =	simm.s32 $0x3200  }
0x45: {  	[tilespmem:s22], [sflag:$0x1] =	stream.indirect.gather [hbm4b:s8+s12], $0x1, s21, s12, $0xb8;
	[tilespmem:$0x5000] =	vst v63  }
0x46: {  	s23 =	simm.s32 $0x2280;
	s24 =	simm.s32 $0x3280  }
0x47: {  	[tilespmem:s24], [sflag:$0x1] =	stream.indirect.gather [hbm4b:s8+s12], $0x1, s23, s12, $0xb8;
	[tilespmem:$0x5000] =	vst v63  }
0x48: {  	s21 =	simm.s32 $0x2300;
	s22 =	simm.s32 $0x3300  }
0x49: {  	[tilespmem:s22], [sflag:$0x1] =	stream.indirect.gather [hbm4b:s8+s12], $0x1, s21, s12, $0xb8;
	[tilespmem:$0x5000] =	vst v63  }
0x4a: {  	s23 =	simm.s32 $0x2380;
	s24 =	simm.s32 $0x3380  }
0x4b: {  	[tilespmem:s24], [sflag:$0x1] =	stream.indirect.gather [hbm4b:s8+s12], $0x1, s23, s12, $0xb8;
	[tilespmem:$0x5000] =	vst v63  }
0x4c: {  	s21 =	simm.s32 $0x2400;
	s22 =	simm.s32 $0x3400  }
0x4d: {  	[tilespmem:s22], [sflag:$0x1] =	stream.indirect.gather [hbm4b:s8+s12], $0x1, s21, s12, $0xb8;
	[tilespmem:$0x5000] =	vst v63  }
0x4e: {  	s23 =	simm.s32 $0x2480;
	s24 =	simm.s32 $0x3480  }
0x4f: {  	[tilespmem:s24], [sflag:$0x1] =	stream.indirect.gather [hbm4b:s8+s12], $0x1, s23, s12, $0xb8;
	[tilespmem:$0x5000] =	vst v63  }
0x50: {  	s21 =	simm.s32 $0x2500;
	s22 =	simm.s32 $0x3500  }
0x51: {  	[tilespmem:s22], [sflag:$0x1] =	stream.indirect.gather [hbm4b:s8+s12], $0x1, s21, s12, $0xb8;
	[tilespmem:$0x5000] =	vst v63  }
0x52: {  	s23 =	simm.s32 $0x2580;
	s24 =	simm.s32 $0x3580  }
0x53: {  	[tilespmem:s24], [sflag:$0x1] =	stream.indirect.gather [hbm4b:s8+s12], $0x1, s23, s12, $0xb8;
	[tilespmem:$0x5000] =	vst v63  }
0x54: {  	s21 =	simm.s32 $0x2600;
	s22 =	simm.s32 $0x3600  }
0x55: {  	[tilespmem:s22], [sflag:$0x1] =	stream.indirect.gather [hbm4b:s8+s12], $0x1, s21, s12, $0xb8;
	[tilespmem:$0x5000] =	vst v63  }
0x56: {  	s23 =	simm.s32 $0x2680;
	s24 =	simm.s32 $0x3680  }
0x57: {  	[tilespmem:s24], [sflag:$0x1] =	stream.indirect.gather [hbm4b:s8+s12], $0x1, s23, s12, $0xb8;
	[tilespmem:$0x5000] =	vst v63  }
0x58: {  	s21 =	simm.s32 $0x2700;
	s22 =	simm.s32 $0x3700  }
0x59: {  	[tilespmem:s22], [sflag:$0x1] =	stream.indirect.gather [hbm4b:s8+s12], $0x1, s21, s12, $0xb8;
	[tilespmem:$0x5000] =	vst v63  }
0x5a: {  	s23 =	simm.s32 $0x2780;
	s24 =	simm.s32 $0x3780  }
0x5b: {  	[tilespmem:s24], [sflag:$0x1] =	stream.indirect.gather [hbm4b:s8+s12], $0x1, s23, s12, $0xb8;
	[tilespmem:$0x5000] =	vst v63  }
0x5c: {  	s21 =	simm.s32 $0x2800;
	s22 =	simm.s32 $0x3800  }
0x5d: {  	[tilespmem:s22], [sflag:$0x1] =	stream.indirect.gather [hbm4b:s8+s12], $0x1, s21, s12, $0xb8;
	[tilespmem:$0x5000] =	vst v63  }
0x5e: {  	s23 =	simm.s32 $0x2880;
	s24 =	simm.s32 $0x3880  }
0x5f: {  	[tilespmem:s24], [sflag:$0x1] =	stream.indirect.gather [hbm4b:s8+s12], $0x1, s23, s12, $0xb8;
	[tilespmem:$0x5000] =	vst v63  }
0x60: {  	s21 =	simm.s32 $0x2900  }
0x61: {  	[tilespmem:s25], [sflag:$0x1] =	stream.indirect.gather [hbm4b:s8+s12], $0x1, s21, s12, $0xb8;
	[tilespmem:$0x5000] =	vst v63  }
0x62: {  	_ = 	snop  }
0x63: {  	[tilespmem:s28], [sflag:$0x1] =	stream.indirect.gather [hbm4b:s8+s12], $0x1, s26, s12, $0xb8;
	[tilespmem:$0x5000] =	vst v63  }
0x64: {  	_ = 	snop  }
0x65: {  	[tilespmem:s30], [sflag:$0x1] =	stream.indirect.gather [hbm4b:s8+s12], $0x1, s29, s12, $0xb8;
	[tilespmem:$0x5000] =	vst v63  }
0x66: {  	_ = 	snop  }
0x67: {  	[tilespmem:s0], [sflag:$0x1] =	stream.indirect.gather [hbm4b:s8+s12], $0x1, s31, s12, $0xb8;
	[tilespmem:$0x5000] =	vst v63  }
0x68: {  	_ = 	snop  }
0x69: {  	[tilespmem:s10], [sflag:$0x1] =	stream.indirect.gather [hbm4b:s8+s12], $0x1, s5, s12, $0xb8;
	[tilespmem:$0x5000] =	vst v63  }
0x6a: {  	_ = 	snop  }
0x6b: {  	[tilespmem:s2], [sflag:$0x1] =	stream.indirect.gather [hbm4b:s8+s12], $0x1, s1, s12, $0xb8;
	[tilespmem:$0x5000] =	vst v63  }
0x6c: {  	_ = 	snop  }
0x6d: {  	[tilespmem:s4], [sflag:$0x1] =	stream.indirect.gather [hbm4b:s8+s12], $0x1, s3, s12, $0xb8;
	[tilespmem:$0x5000] =	vst v63  }
0x6e: {  	s22 =	sadd.s32 s8, s16;
	s23 =	simm.s32 $0x4000  }
0x6f: {  	[tilespmem:s23], [sflag:$0x2] =	stream.linear.gather [hbm4b:s22+s18], $0x7D0, $0x38;
	[tilespmem:$0x5000] =	vst v63  }
0x70: {  	_ =	swait.ge [sflag:s11], $0x7D0  }
0x71: {  	[sflag:s11] =	ssyncset.done $0x0  }
0x72: {  	[sflag:s11] =	ssyncadd.s32 $0xFFFFF830  }
0x73: {  	_ =	swait.ge [sflag:s13], $0x50  }
0x74: {  	[sflag:s13] =	ssyncset.done $0x0  }
0x75: {  	[sflag:s13] =	ssyncadd.s32 $0xFFFFFFB0  }
0x76: {  	_ =	swait.ge [sflag:s13], $0x50  }
0x77: {  	[sflag:s13] =	ssyncset.done $0x0  }
0x78: {  	[sflag:s13] =	ssyncadd.s32 $0xFFFFFFB0  }
0x79: {  	_ =	swait.ge [sflag:s13], $0x50  }
0x7a: {  	[sflag:s13] =	ssyncset.done $0x0  }
0x7b: {  	[sflag:s13] =	ssyncadd.s32 $0xFFFFFFB0  }
0x7c: {  	_ =	swait.ge [sflag:s13], $0x50  }
0x7d: {  	[sflag:s13] =	ssyncset.done $0x0  }
0x7e: {  	[sflag:s13] =	ssyncadd.s32 $0xFFFFFFB0  }
0x7f: {  	_ =	swait.ge [sflag:s13], $0x50  }
0x80: {  	[sflag:s13] =	ssyncset.done $0x0  }
0x81: {  	[sflag:s13] =	ssyncadd.s32 $0xFFFFFFB0  }
0x82: {  	_ =	swait.ge [sflag:s13], $0x50  }
0x83: {  	[sflag:s13] =	ssyncset.done $0x0  }
0x84: {  	[sflag:s13] =	ssyncadd.s32 $0xFFFFFFB0  }
0x85: {  	_ =	swait.ge [sflag:s13], $0x50  }
0x86: {  	[sflag:s13] =	ssyncset.done $0x0  }
0x87: {  	[sflag:s13] =	ssyncadd.s32 $0xFFFFFFB0  }
0x88: {  	_ =	swait.ge [sflag:s13], $0x50  }
0x89: {  	[sflag:s13] =	ssyncset.done $0x0  }
0x8a: {  	[sflag:s13] =	ssyncadd.s32 $0xFFFFFFB0  }
0x8b: {  	_ =	swait.ge [sflag:s13], $0x50  }
0x8c: {  	[sflag:s13] =	ssyncset.done $0x0  }
0x8d: {  	[sflag:s13] =	ssyncadd.s32 $0xFFFFFFB0  }
0x8e: {  	_ =	swait.ge [sflag:s13], $0x50  }
0x8f: {  	[sflag:s13] =	ssyncset.done $0x0  }
0x90: {  	[sflag:s13] =	ssyncadd.s32 $0xFFFFFFB0  }
0x91: {  	_ =	swait.ge [sflag:s13], $0x50  }
0x92: {  	[sflag:s13] =	ssyncset.done $0x0  }
0x93: {  	[sflag:s13] =	ssyncadd.s32 $0xFFFFFFB0  }
0x94: {  	_ =	swait.ge [sflag:s13], $0x50  }
0x95: {  	[sflag:s13] =	ssyncset.done $0x0  }
0x96: {  	[sflag:s13] =	ssyncadd.s32 $0xFFFFFFB0  }
0x97: {  	_ =	swait.ge [sflag:s13], $0x50  }
0x98: {  	[sflag:s13] =	ssyncset.done $0x0  }
0x99: {  	[sflag:s13] =	ssyncadd.s32 $0xFFFFFFB0  }
0x9a: {  	_ =	swait.ge [sflag:s13], $0x50  }
0x9b: {  	[sflag:s13] =	ssyncset.done $0x0  }
0x9c: {  	[sflag:s13] =	ssyncadd.s32 $0xFFFFFFB0  }
0x9d: {  	_ =	swait.ge [sflag:s13], $0x50  }
0x9e: {  	[sflag:s13] =	ssyncset.done $0x0  }
0x9f: {  	[sflag:s13] =	ssyncadd.s32 $0xFFFFFFB0  }
0xa0: {  	_ =	swait.ge [sflag:s13], $0x50  }
0xa1: {  	[sflag:s13] =	ssyncset.done $0x0  }
0xa2: {  	[sflag:s13] =	ssyncadd.s32 $0xFFFFFFB0  }
0xa3: {  	_ =	swait.ge [sflag:s13], $0x50  }
0xa4: {  	[sflag:s13] =	ssyncset.done $0x0  }
0xa5: {  	[sflag:s13] =	ssyncadd.s32 $0xFFFFFFB0  }
0xa6: {  	_ =	swait.ge [sflag:s13], $0x50  }
0xa7: {  	[sflag:s13] =	ssyncset.done $0x0  }
0xa8: {  	[sflag:s13] =	ssyncadd.s32 $0xFFFFFFB0  }
0xa9: {  	_ =	swait.ge [sflag:s13], $0x50  }
0xaa: {  	[sflag:s13] =	ssyncset.done $0x0  }
0xab: {  	[sflag:s13] =	ssyncadd.s32 $0xFFFFFFB0  }
0xac: {  	_ =	swait.ge [sflag:s13], $0x50  }
0xad: {  	[sflag:s13] =	ssyncset.done $0x0  }
0xae: {  	[sflag:s13] =	ssyncadd.s32 $0xFFFFFFB0  }
0xaf: {  	_ =	swait.ge [sflag:s13], $0x50  }
0xb0: {  	[sflag:s13] =	ssyncset.done $0x0  }
0xb1: {  	[sflag:s13] =	ssyncadd.s32 $0xFFFFFFB0  }
0xb2: {  	_ =	swait.ge [sflag:s13], $0x50  }
0xb3: {  	[sflag:s13] =	ssyncset.done $0x0  }
0xb4: {  	[sflag:s13] =	ssyncadd.s32 $0xFFFFFFB0  }
0xb5: {  	_ =	swait.ge [sflag:s13], $0x50  }
0xb6: {  	[sflag:s13] =	ssyncset.done $0x0  }
0xb7: {  	[sflag:s13] =	ssyncadd.s32 $0xFFFFFFB0  }
0xb8: {  	_ =	swait.ge [sflag:s13], $0x50  }
0xb9: {  	[sflag:s13] =	ssyncset.done $0x0  }
0xba: {  	[sflag:s13] =	ssyncadd.s32 $0xFFFFFFB0  }
0xbb: {  	_ =	swait.ge [sflag:s13], $0x50  }
0xbc: {  	[sflag:s13] =	ssyncset.done $0x0  }
0xbd: {  	s18 =	smul.u32 $0xCD, s18;
	[sflag:s13] =	ssyncadd.s32 $0xFFFFFFB0  }
0xbe: {  	v0 =	vld [tilespmem:s23+$0x0]  }
0xbf: {  	s24 =	sshrl.u32 s18, $0xA  }
0xc0: {  	s19 =	sand.u32 $0x3F, s24  }
0xc1: {  	s19 =	smul.u32 $0x5, s19;
	_ =	sdelay $0x1  }
0xc2: {  	s19 =	ssub.s32 $0x0, s19;
	(erf) = vrcp.f32 v0  }
0xc3: {  	s18 =	sshrl.u32 s18, $0x3;
	s19 =	sand.u32 $0xFF, s19  }
0xc4: {  	s18 =	sand.u32 $0x1F80, s18;
	s19 =	sshll.u32 s19, $0x4  }
0xc5: {  	s18 =	sor.u32 s19, s18  }
0xc6: {  	v1 =	vld [tilespmem:s18+$0x3000]  }
0xc7: {  	v2 =	vld [tilespmem:s17+$0x0];
	_ =	sdelay $0x3  }
0xc8: {  	vm14 =	vlt.f32 v0, $0.0e+00;
	vm1 =	vgt.f32 v0, $0.0e+00;
	v0 =	vpop (erf)  }
0xc9: {  	vm15 =	vne.s32 v2, $0xFFFFFFFF;
	vm0 =	vmor vm1, vm14;
	v0 =	vmul.f32 v0, v1  }
0xca: {  	vm0 =	vmand vm0, vm15  }
0xcb: {  	s19 =	simm.s32 $0x1;
	s18 =	simm.s32 $0x4800;
	v0 =	vnsel vm0, $0x3F800000, v0  }
0xcc: {  	s20 =	simm.s32 $0x4010;
	s22 =	smul.u32 $0xCD, s19;
	[tilespmem:s18+$0x0] =	vst v0  }
0xcd: {  	s21 =	simm.s32 $0x2;
	v0 =	vld [tilespmem:s20+$0x0]  }
.LBB2_5:
0xce: {  	p0 =	sne.s32 s21, $0x7C;
	s23 =	sshrl.u32 s22, $0xA  }
0xcf: {  	s23 =	sand.u32 $0x3F, s23  }
0xd0: {  	s23 =	smul.u32 $0x5, s23;
	_ =	sdelay $0x1  }
0xd1: {  	s23 =	ssub.s32 s19, s23;
	(erf) = vrcp.f32 v0;
	s19 =	smov.u32 s21  }
0xd2: {  	s22 =	sshrl.u32 s22, $0x3;
	s23 =	sand.u32 $0xFF, s23  }
0xd3: {  	s22 =	sand.u32 $0x1F80, s22;
	s23 =	sshll.u32 s23, $0x4  }
0xd4: {  	s22 =	sor.u32 s23, s22  }
0xd5: {  	s17 =	sadd.s32 $0x10, s17;
	v1 =	vld [tilespmem:s22+$0x3000]  }
0xd6: {  	v2 =	vld [tilespmem:s17+$0x0];
	_ =	sdelay $0x3  }
0xd7: {  	vm0 =	vlt.f32 v0, $0.0e+00;
	vm1 =	vgt.f32 v0, $0.0e+00;
	v0 =	vpop (erf)  }
.Ltmp1:
0xd8: {  	vm0 =	vmor vm1, vm0;
	vm1 =	vne.s32 v2, $0xFFFFFFFF;
	v0 =	vmul.f32 v0, v1;
	(pc) =	sbr.rel @p0 .LBB2_5-.Ltmp1, $4  }
0xd9: {  	vm0 =	vmand vm0, vm1  }
0xda: {  	s18 =	sadd.s32 $0x10, s18;
	v0 =	vnsel vm0, $0x3F800000, v0  }
0xdb: {  	s20 =	sadd.s32 $0x10, s20;
	s22 =	smul.u32 $0xCD, s21;
	[tilespmem:s18+$0x0] =	vst v0  }
0xdc: {  	s21 =	sadd.s32 $0x1, s21;
	v0 =	vld [tilespmem:s20+$0x0]  }
0xdd: {  	_ = 	snop  }
0xde: {  	s20 =	sshrl.u32 s22, $0xA  }
0xdf: {  	s20 =	sand.u32 $0x3F, s20  }
0xe0: {  	s20 =	smul.u32 $0x5, s20  }
0xe1: {  	(erf) = vrcp.f32 v0  }
0xe2: {  	s19 =	ssub.s32 s19, s20  }
0xe3: {  	s21 =	sshrl.u32 s22, $0x3;
	s19 =	sand.u32 $0xFF, s19  }
0xe4: {  	s17 =	sadd.s32 $0x10, s17;
	s20 =	sand.u32 $0x1F80, s21;
	s19 =	sshll.u32 s19, $0x4  }
0xe5: {  	v2 =	vld [tilespmem:s17+$0x0];
	s19 =	sor.u32 s19, s20  }
0xe6: {  	v1 =	vld [tilespmem:s19+$0x3000];
	_ =	sdelay $0x3  }
0xe7: {  	vm0 =	vlt.f32 v0, $0.0e+00;
	vm1 =	vgt.f32 v0, $0.0e+00;
	v63 =	vpop (erf)  }
0xe8: {  	vm0 =	vmor vm1, vm0;
	vm15 =	vne.s32 v2, $0xFFFFFFFF;
	v0 =	vmul.f32 v63, v1  }
0xe9: {  	s15 =	sadd.s32 $0x1, s15;
	vm0 =	vmand vm0, vm15  }
0xea: {  	s22 =	sadd.s32 $0x10, s18;
	s23 =	rddreg [dreg:$0x3];
	p0 =	sne.s32 s15, $0x19;
	v0 =	vnsel vm0, $0x3F800000, v0  }
.Ltmp2:
0xeb: {  	s24 =	simm.s32 $0x0;
	s16 =	sadd.s32 s23, s16;
	[tilespmem:s22+$0x0] =	vst v0;
	(pc) =	sbr.rel @p0 .LBB2_2-.Ltmp2, $4  }
0xec: {  	[hbm4b:s16+s24] =	stream.linear.scatter [tilespmem:s14], [sflag:$0x2], $0x7D0, $0x38;
	[tilespmem:$0x5000] =	vst v63  }
0xed: {  	_ =	swait.ge [sflag:s11], $0x7D0  }
0xee: {  	[sflag:s11] =	ssyncset.done $0x0  }
0xef: {  	[sflag:s11] =	ssyncadd.s32 $0xFFFFF830  }
0xf0: {  	s16 =	rddreg [dreg:$0x6]  }
0xf1: {  	s15 =	rddreg [dreg:$0x5];
	s16 =	sadd.s32 $0x1, s16  }
0xf2: {  	p0 =	sne.s32 s16, s15  }
.Ltmp3:
0xf3: {  	_ = 	snop;
	(pc) =	sbr.rel @p0 .LBB2_1-.Ltmp3, $1  }
0xf4: {  	_ =	sdelay $0x3  }
0xf5: {  	_ =	sfence.sel $0x180000  }
0xf6: {  	[bflag:$0x0] =	sbarrier.arrive $0xFFFF  }
0xf7: {  	_ =	strace $0x9000004A  }
0xf8: {  	s0 =	stileid.u32;
	[bflag:$0x2] =	sbarrier.arrive $0xFFFF  }
0xf9: {  	p0 =	sne.s32 s0, $0x0;
	s0 =	rddreg [dreg:$0x4]  }
0xfa: {  	s0 =	sadd.s32 @!p0 $0x100000, s0  }
0xfb: {  	[sflag:s0] =	ssyncadd.tile.s32 @!p0 $0x1;
	_ =	shalt  }
.Lfunc_end2:
_tile_overlayer_lowered:
.L_overlay_start_2:
0xfc: {  	(tag) =	ssettag $0x2  }
0xfd: {  	s0 =	rddreg [dreg:$0x0];
	s2 =	stileid.u32  }
0xfe: {  	s1 =	rddreg [dreg:$0x1];
	p0 =	sne.s32 s2, $0x0  }
0xff: {  	s3 =	rddreg [dreg:$0x2];
	[bflag:$0x3] =	sbarrier.arrive $0xFFFF;
	s2 =	simm.s32 @!p0 $0x1C02  }
0x100: {  	[timem:s3], [sflag:s2] =	dma.local @!p0 [hbm:s0], s1  }
0x101: {  	s0 =	simm.s32 @!p0 $0x2  }
0x102: {  	_ =	swait.ge @!p0 [sflag:s0], s1  }
0x103: {  	s1 =	ssub.s32 @!p0 $0x0, s1;
	[sflag:s0] =	ssyncset.done @!p0 $0x0  }
0x104: {  	[sflag:s0] =	ssyncadd.s32 @!p0 s1  }
0x105: {  	[bflag:$0x3] =	sbarrier.arrive $0xFFFF  }
0x106: {  	_ =	shalt  }

</sc_bundles>
